<compile_context>
chip_gen: v7x
topology: tpu7x:2x2x1
jax: 0.10.2.dev20260603
libtpu: 0.0.44.dev20260713+nightly
codegen_flags: <defaults>
</compile_context>

<pallas_src>
import functools

import jax
import jax.numpy as jnp
from jax import lax
from jax.experimental import pallas as pl
from jax.experimental.pallas import tpu as pltpu
from jax.experimental.pallas import tpu_sc as plsc

B, C, H, W = 2, 384, 224, 224
OH, OW, K = 112, 112, 4
NC, NS, L = 2, 16, 16

NPLANES = B * C
PLANE = H * W
NPIX = OH * OW
PLANES_PER_CORE = NPLANES // NC
PIX_PER_TILE = NPIX // NS
GROUPS = PIX_PER_TILE // L
NJ = 4 * K


def _sc_body(x_hbm, sm_hbm, out_hbm, idx_v, w_v, out_v):
    c = lax.axis_index("c")
    s = lax.axis_index("s")

    def precompute(sm_v):
        pltpu.sync_copy(sm_hbm.at[pl.ds(s * (PIX_PER_TILE * K * 2),
                                        PIX_PER_TILE * K * 2)], sm_v)
        lane = lax.iota(jnp.int32, L)

        def g_body(g, carry):
            p16 = g * L + lane
            for k in range(K):
                off = p16 * (2 * K) + (2 * k)
                xs = plsc.load_gather(sm_v, [off])
                ys = plsc.load_gather(sm_v, [off + 1])
                x0i = xs.astype(jnp.int32)
                y0i = ys.astype(jnp.int32)
                wx1 = xs - x0i.astype(jnp.float32)
                wx0 = 1.0 - wx1
                wy1 = ys - y0i.astype(jnp.float32)
                wy0 = 1.0 - wy1
                x0c = jnp.minimum(jnp.maximum(x0i, 0), W - 1)
                x1c = jnp.minimum(x0c + 1, W - 1)
                y0c = jnp.minimum(jnp.maximum(y0i, 0), H - 1)
                y1c = jnp.minimum(y0c + 1, H - 1)
                r0 = y0c * W
                r1 = y1c * W
                scale = 1.0 / K
                sl = pl.ds(g * L, L)
                idx_v[4 * k + 0, sl] = r0 + x0c
                w_v[4 * k + 0, sl] = wy0 * wx0 * scale
                idx_v[4 * k + 1, sl] = r0 + x1c
                w_v[4 * k + 1, sl] = wy0 * wx1 * scale
                idx_v[4 * k + 2, sl] = r1 + x0c
                w_v[4 * k + 2, sl] = wy1 * wx0 * scale
                idx_v[4 * k + 3, sl] = r1 + x1c
                w_v[4 * k + 3, sl] = wy1 * wx1 * scale
            return carry

        lax.fori_loop(0, GROUPS, g_body, 0)

    def main(plane_v):
        def plane_body(i, carry):
            plane = c * PLANES_PER_CORE + i
            pltpu.sync_copy(x_hbm.at[pl.ds(plane * PLANE, PLANE)], plane_v)

            def g_body(g, carry2):
                sl = pl.ds(g * L, L)
                acc = jnp.zeros((L,), jnp.float32)
                for j in range(NJ):
                    iv = idx_v[j, sl]
                    wv = w_v[j, sl]
                    acc = acc + wv * plsc.load_gather(plane_v, [iv])
                out_v[sl] = acc
                return carry2

            lax.fori_loop(0, GROUPS, g_body, 0)
            pltpu.sync_copy(out_v,
                            out_hbm.at[pl.ds(plane * NPIX + s * PIX_PER_TILE,
                                             PIX_PER_TILE)])
            return carry

        lax.fori_loop(0, PLANES_PER_CORE, plane_body, 0)

    pl.run_scoped(precompute, pltpu.VMEM((PIX_PER_TILE * K * 2,), jnp.float32))
    pl.run_scoped(main, pltpu.VMEM((PLANE,), jnp.float32))


@jax.jit
def kernel(x, sample_map):
    x2 = x.reshape(NPLANES * PLANE)
    smf = sample_map.reshape(-1)
    sc = pl.kernel(
        _sc_body,
        out_type=jax.ShapeDtypeStruct((NPLANES * NPIX,), jnp.float32),
        mesh=plsc.VectorSubcoreMesh(core_axis_name="c", subcore_axis_name="s",
                                    num_cores=NC, num_subcores=NS),
        scratch_types=[
            pltpu.VMEM((NJ, PIX_PER_TILE), jnp.int32),
            pltpu.VMEM((NJ, PIX_PER_TILE), jnp.float32),
            pltpu.VMEM((PIX_PER_TILE,), jnp.float32),
        ],
        compiler_params=pltpu.CompilerParams(needs_layout_passes=False),
    )
    out = sc(x2, smf)
    return out.reshape(B, C, OH, OW)

# --- scband reference (transcript-rebuilt; emitter-appended) ---
"""Pipeline reference for scband-mapped-avg-pool-34282428956673 (READ-ONLY COPY).

The authoritative reference and input builder live on the scoring server;
editing this copy changes nothing except your own understanding.
"""

import jax, jax.numpy as jnp
import numpy as np


def setup_inputs(seed: int = 0) -> dict:
    key = jax.random.key(seed)
    k1, k2 = jax.random.split(key)
    x = jax.random.normal(k1, (2, 384, 224, 224), dtype=jnp.float32)
    # sample_map holds real-valued (x, y) coordinates into the 224x224 input plane
    # shape: [OH, OW, K, 2] with K = kernel_size = 4
    sample_map = jax.random.uniform(k2, (112, 112, 4, 2), dtype=jnp.float32) * 223.0
    return {"x": x, "sample_map": sample_map}


def _mapped_avg_pool_bilinear(x, sample_map):
    B, C, H, W = x.shape
    OH, OW, K, _ = sample_map.shape
    xs = sample_map[..., 0]
    ys = sample_map[..., 1]
    x0 = jnp.floor(xs)
    y0 = jnp.floor(ys)
    wx1 = xs - x0
    wx0 = 1.0 - wx1
    wy1 = ys - y0
    wy0 = 1.0 - wy1
    x0i = jnp.clip(x0.astype(jnp.int32), 0, W - 1)
    x1i = jnp.clip(x0i + 1, 0, W - 1)
    y0i = jnp.clip(y0.astype(jnp.int32), 0, H - 1)
    y1i = jnp.clip(y0i + 1, 0, H - 1)
    xf = x.reshape(B, C, H * W)

    def gather(yi, xi):
        idx = (yi * W + xi).reshape(-1)
        v = jnp.take(xf, idx, axis=2)
        return v.reshape(B, C, OH, OW, K)

    val = (
        gather(y0i, x0i) * (wy0 * wx0)
        + gather(y0i, x1i) * (wy0 * wx1)
        + gather(y1i, x0i) * (wy1 * wx0)
        + gather(y1i, x1i) * (wy1 * wx1)
    )
    # average over the K mapped kernel samples
    return val.mean(axis=-1)


def reference(x, sample_map):
    return _mapped_avg_pool_bilinear(x, sample_map)

if __name__ == "__main__":
    import jax
    _d = setup_inputs()
    print(jax.jit(kernel)(*tuple(_d.values())))

</pallas_src>

<mosaic_0001>
#map = affine_map<(d0, d1) -> (0)>
module attributes {stable_mosaic.version = 14 : i64} {
  func.func @_sc_body(%arg0: i32, %arg1: i32, %arg2: memref<38535168xf32, #tpu.memory_space<hbm>>, %arg3: memref<100352xf32, #tpu.memory_space<hbm>>, %arg4: memref<9633792xf32, #tpu.memory_space<hbm>>, %arg5: memref<16x784xi32, #tpu.memory_space<vmem>>, %arg6: memref<16x784xf32, #tpu.memory_space<vmem>>, %arg7: memref<784xf32, #tpu.memory_space<vmem>>) attributes {dimension_semantics = [#tpu.dimension_semantics<core_parallel>, #tpu.dimension_semantics<subcore_parallel>], iteration_bounds = array<i64: 2, 16>, scalar_prefetch = 0 : i64, scratch_operands = 3 : i64, tpu.core_type = #tpu.core_type<sc_vector_subcore>, window_params = [{transform_indices = #map}, {transform_indices = #map}, {transform_indices = #map}]} {
    "tpu.region"() ({
      %run_scoped3A = memref.alloca() : memref<6272xf32, #tpu.memory_space<vmem>>
      %mul3A = arith.constant 6272 : i32
      %mul3A_0 = arith.muli %arg1, %mul3A : i32
      "tpu.region"() ({
        %run_scoped3A_6 = tpu.sem_alloc : memref<!tpu.dma_semaphore, #tpu.memory_space<semaphore_mem>>
        %dma_start3A = tpu.memref_slice %arg3[%mul3A_0] : memref<100352xf32, #tpu.memory_space<hbm>> -> memref<6272xf32, #tpu.memory_space<hbm>>
        %dma_start3A_7 = tpu.memref_slice %arg3[%mul3A_0] : memref<100352xf32, #tpu.memory_space<hbm>> -> memref<6272xf32, #tpu.memory_space<hbm>>
        tpu.enqueue_dma source(%dma_start3A_7 : memref<6272xf32, #tpu.memory_space<hbm>>) target(%run_scoped3A : memref<6272xf32, #tpu.memory_space<vmem>>) target_semaphore(%run_scoped3A_6 : memref<!tpu.dma_semaphore, #tpu.memory_space<semaphore_mem>>)
        %dma_wait3A = tpu.memref_slice %arg3[%mul3A_0] : memref<100352xf32, #tpu.memory_space<hbm>> -> memref<6272xf32, #tpu.memory_space<hbm>>
        %dma_wait3A_8 = tpu.memref_slice %arg3[%mul3A_0] : memref<100352xf32, #tpu.memory_space<hbm>> -> memref<6272xf32, #tpu.memory_space<hbm>>
        tpu.wait_dma2 semaphore(%run_scoped3A_6 : memref<!tpu.dma_semaphore, #tpu.memory_space<semaphore_mem>>) src(%dma_wait3A_8 : memref<6272xf32, #tpu.memory_space<hbm>>) dst(%run_scoped3A : memref<6272xf32, #tpu.memory_space<vmem>>)
        tpu.yield
      }) : () -> ()
      %iota3A = tpu.iota {dimensions = array<i32: 0>} : vector<16xi32>
      %scan3A = arith.constant 0 : i32
      %scan3A_1 = arith.constant 0 : i32
      %scan3A_2 = arith.constant 49 : i32
      %scan3A_3 = arith.addi %scan3A_1, %scan3A_2 : i32
      %scan3A_4 = arith.constant 1 : i32
      scf.for %scan3A_6 = %scan3A_1 to %scan3A_3 step %scan3A_4  : i32 {
        %mul3A_7 = arith.constant 16 : i32
        %mul3A_8 = arith.muli %scan3A_6, %mul3A_7 : i32
        %add3A = vector.broadcast %mul3A_8 : i32 to vector<16xi32>
        %add3A_9 = arith.addi %add3A, %iota3A : vector<16xi32>
        %mul3A_10 = arith.constant 8 : i32
        %mul3A_11 = vector.broadcast %mul3A_10 : i32 to vector<16xi32>
        %mul3A_12 = arith.muli %add3A_9, %mul3A_11 : vector<16xi32>
        %add3A_13 = arith.constant 0 : i32
        %add3A_14 = vector.broadcast %add3A_13 : i32 to vector<16xi32>
        %add3A_15 = arith.addi %mul3A_12, %add3A_14 : vector<16xi32>
        %gather3A = tpu.vector_load_idx %run_scoped3A[%add3A_15] : memref<6272xf32, #tpu.memory_space<vmem>>[vector<16xi32>], vector<16xf32>,
        %add3A_16 = arith.constant 1 : i32
        %add3A_17 = vector.broadcast %add3A_16 : i32 to vector<16xi32>
        %add3A_18 = arith.addi %add3A_15, %add3A_17 : vector<16xi32>
        %gather3A_19 = tpu.vector_load_idx %run_scoped3A[%add3A_18] : memref<6272xf32, #tpu.memory_space<vmem>>[vector<16xi32>], vector<16xf32>,
        %convert_element_type3A = arith.fptosi %gather3A : vector<16xf32> to vector<16xi32>
        %convert_element_type3A_20 = arith.fptosi %gather3A_19 : vector<16xf32> to vector<16xi32>
        %convert_element_type3A_21 = arith.sitofp %convert_element_type3A : vector<16xi32> to vector<16xf32>
        %sub3A = arith.subf %gather3A, %convert_element_type3A_21 : vector<16xf32>
        %sub3A_22 = arith.constant 1.000000e+00 : f32
        %sub3A_23 = vector.broadcast %sub3A_22 : f32 to vector<16xf32>
        %sub3A_24 = arith.subf %sub3A_23, %sub3A : vector<16xf32>
        %convert_element_type3A_25 = arith.sitofp %convert_element_type3A_20 : vector<16xi32> to vector<16xf32>
        %sub3A_26 = arith.subf %gather3A_19, %convert_element_type3A_25 : vector<16xf32>
        %sub3A_27 = arith.constant 1.000000e+00 : f32
        %sub3A_28 = vector.broadcast %sub3A_27 : f32 to vector<16xf32>
        %sub3A_29 = arith.subf %sub3A_28, %sub3A_26 : vector<16xf32>
        %max3A = arith.constant 0 : i32
        %max3A_30 = vector.broadcast %max3A : i32 to vector<16xi32>
        %max3A_31 = arith.maxsi %convert_element_type3A, %max3A_30 : vector<16xi32>
        %min3A = arith.constant 223 : i32
        %min3A_32 = vector.broadcast %min3A : i32 to vector<16xi32>
        %min3A_33 = arith.minsi %max3A_31, %min3A_32 : vector<16xi32>
        %add3A_34 = arith.constant 1 : i32
        %add3A_35 = vector.broadcast %add3A_34 : i32 to vector<16xi32>
        %add3A_36 = arith.addi %min3A_33, %add3A_35 : vector<16xi32>
        %min3A_37 = arith.constant 223 : i32
        %min3A_38 = vector.broadcast %min3A_37 : i32 to vector<16xi32>
        %min3A_39 = arith.minsi %add3A_36, %min3A_38 : vector<16xi32>
        %max3A_40 = arith.constant 0 : i32
        %max3A_41 = vector.broadcast %max3A_40 : i32 to vector<16xi32>
        %max3A_42 = arith.maxsi %convert_element_type3A_20, %max3A_41 : vector<16xi32>
        %min3A_43 = arith.constant 223 : i32
        %min3A_44 = vector.broadcast %min3A_43 : i32 to vector<16xi32>
        %min3A_45 = arith.minsi %max3A_42, %min3A_44 : vector<16xi32>
        %add3A_46 = arith.constant 1 : i32
        %add3A_47 = vector.broadcast %add3A_46 : i32 to vector<16xi32>
        %add3A_48 = arith.addi %min3A_45, %add3A_47 : vector<16xi32>
        %min3A_49 = arith.constant 223 : i32
        %min3A_50 = vector.broadcast %min3A_49 : i32 to vector<16xi32>
        %min3A_51 = arith.minsi %add3A_48, %min3A_50 : vector<16xi32>
        %mul3A_52 = arith.constant 224 : i32
        %mul3A_53 = vector.broadcast %mul3A_52 : i32 to vector<16xi32>
        %mul3A_54 = arith.muli %min3A_45, %mul3A_53 : vector<16xi32>
        %mul3A_55 = arith.constant 224 : i32
        %mul3A_56 = vector.broadcast %mul3A_55 : i32 to vector<16xi32>
        %mul3A_57 = arith.muli %min3A_51, %mul3A_56 : vector<16xi32>
        %mul3A_58 = arith.constant 16 : i32
        %mul3A_59 = arith.muli %scan3A_6, %mul3A_58 : i32
        %add3A_60 = arith.addi %mul3A_54, %min3A_33 : vector<16xi32>
        %swap3A = arith.constant 0 : i32
        %swap3A_61 = arith.index_cast %swap3A : i32 to index
        %swap3A_62 = arith.index_cast %mul3A_59 : i32 to index
        %swap3A_63 = tpu.vector_load %arg5[%swap3A_61, %swap3A_62] {strides = array<i32>} : memref<16x784xi32, #tpu.memory_space<vmem>>, vector<16xi32>,
        tpu.vector_store %arg5[%swap3A_61, %swap3A_62], %add3A_60 {strides = array<i32>} : memref<16x784xi32, #tpu.memory_space<vmem>>, vector<16xi32>,
        %mul3A_64 = arith.mulf %sub3A_29, %sub3A_24 : vector<16xf32>
        %mul3A_65 = arith.constant 2.500000e-01 : f32
        %mul3A_66 = vector.broadcast %mul3A_65 : f32 to vector<16xf32>
        %mul3A_67 = arith.mulf %mul3A_64, %mul3A_66 : vector<16xf32>
        %swap3A_68 = arith.constant 0 : i32
        %swap3A_69 = arith.index_cast %swap3A_68 : i32 to index
        %swap3A_70 = arith.index_cast %mul3A_59 : i32 to index
        %swap3A_71 = tpu.vector_load %arg6[%swap3A_69, %swap3A_70] {strides = array<i32>} : memref<16x784xf32, #tpu.memory_space<vmem>>, vector<16xf32>,
        tpu.vector_store %arg6[%swap3A_69, %swap3A_70], %mul3A_67 {strides = array<i32>} : memref<16x784xf32, #tpu.memory_space<vmem>>, vector<16xf32>,
        %add3A_72 = arith.addi %mul3A_54, %min3A_39 : vector<16xi32>
        %swap3A_73 = arith.constant 1 : i32
        %swap3A_74 = arith.index_cast %swap3A_73 : i32 to index
        %swap3A_75 = arith.index_cast %mul3A_59 : i32 to index
        %swap3A_76 = tpu.vector_load %arg5[%swap3A_74, %swap3A_75] {strides = array<i32>} : memref<16x784xi32, #tpu.memory_space<vmem>>, vector<16xi32>,
        tpu.vector_store %arg5[%swap3A_74, %swap3A_75], %add3A_72 {strides = array<i32>} : memref<16x784xi32, #tpu.memory_space<vmem>>, vector<16xi32>,
        %mul3A_77 = arith.mulf %sub3A_29, %sub3A : vector<16xf32>
        %mul3A_78 = arith.constant 2.500000e-01 : f32
        %mul3A_79 = vector.broadcast %mul3A_78 : f32 to vector<16xf32>
        %mul3A_80 = arith.mulf %mul3A_77, %mul3A_79 : vector<16xf32>
        %swap3A_81 = arith.constant 1 : i32
        %swap3A_82 = arith.index_cast %swap3A_81 : i32 to index
        %swap3A_83 = arith.index_cast %mul3A_59 : i32 to index
        %swap3A_84 = tpu.vector_load %arg6[%swap3A_82, %swap3A_83] {strides = array<i32>} : memref<16x784xf32, #tpu.memory_space<vmem>>, vector<16xf32>,
        tpu.vector_store %arg6[%swap3A_82, %swap3A_83], %mul3A_80 {strides = array<i32>} : memref<16x784xf32, #tpu.memory_space<vmem>>, vector<16xf32>,
        %add3A_85 = arith.addi %mul3A_57, %min3A_33 : vector<16xi32>
        %swap3A_86 = arith.constant 2 : i32
        %swap3A_87 = arith.index_cast %swap3A_86 : i32 to index
        %swap3A_88 = arith.index_cast %mul3A_59 : i32 to index
        %swap3A_89 = tpu.vector_load %arg5[%swap3A_87, %swap3A_88] {strides = array<i32>} : memref<16x784xi32, #tpu.memory_space<vmem>>, vector<16xi32>,
        tpu.vector_store %arg5[%swap3A_87, %swap3A_88], %add3A_85 {strides = array<i32>} : memref<16x784xi32, #tpu.memory_space<vmem>>, vector<16xi32>,
        %mul3A_90 = arith.mulf %sub3A_26, %sub3A_24 : vector<16xf32>
        %mul3A_91 = arith.constant 2.500000e-01 : f32
        %mul3A_92 = vector.broadcast %mul3A_91 : f32 to vector<16xf32>
        %mul3A_93 = arith.mulf %mul3A_90, %mul3A_92 : vector<16xf32>
        %swap3A_94 = arith.constant 2 : i32
        %swap3A_95 = arith.index_cast %swap3A_94 : i32 to index
        %swap3A_96 = arith.index_cast %mul3A_59 : i32 to index
        %swap3A_97 = tpu.vector_load %arg6[%swap3A_95, %swap3A_96] {strides = array<i32>} : memref<16x784xf32, #tpu.memory_space<vmem>>, vector<16xf32>,
        tpu.vector_store %arg6[%swap3A_95, %swap3A_96], %mul3A_93 {strides = array<i32>} : memref<16x784xf32, #tpu.memory_space<vmem>>, vector<16xf32>,
        %add3A_98 = arith.addi %mul3A_57, %min3A_39 : vector<16xi32>
        %swap3A_99 = arith.constant 3 : i32
        %swap3A_100 = arith.index_cast %swap3A_99 : i32 to index
        %swap3A_101 = arith.index_cast %mul3A_59 : i32 to index
        %swap3A_102 = tpu.vector_load %arg5[%swap3A_100, %swap3A_101] {strides = array<i32>} : memref<16x784xi32, #tpu.memory_space<vmem>>, vector<16xi32>,
        tpu.vector_store %arg5[%swap3A_100, %swap3A_101], %add3A_98 {strides = array<i32>} : memref<16x784xi32, #tpu.memory_space<vmem>>, vector<16xi32>,
        %mul3A_103 = arith.mulf %sub3A_26, %sub3A : vector<16xf32>
        %mul3A_104 = arith.constant 2.500000e-01 : f32
        %mul3A_105 = vector.broadcast %mul3A_104 : f32 to vector<16xf32>
        %mul3A_106 = arith.mulf %mul3A_103, %mul3A_105 : vector<16xf32>
        %swap3A_107 = arith.constant 3 : i32
        %swap3A_108 = arith.index_cast %swap3A_107 : i32 to index
        %swap3A_109 = arith.index_cast %mul3A_59 : i32 to index
        %swap3A_110 = tpu.vector_load %arg6[%swap3A_108, %swap3A_109] {strides = array<i32>} : memref<16x784xf32, #tpu.memory_space<vmem>>, vector<16xf32>,
        tpu.vector_store %arg6[%swap3A_108, %swap3A_109], %mul3A_106 {strides = array<i32>} : memref<16x784xf32, #tpu.memory_space<vmem>>, vector<16xf32>,
        %mul3A_111 = arith.constant 8 : i32
        %mul3A_112 = vector.broadcast %mul3A_111 : i32 to vector<16xi32>
        %mul3A_113 = arith.muli %add3A_9, %mul3A_112 : vector<16xi32>
        %add3A_114 = arith.constant 2 : i32
        %add3A_115 = vector.broadcast %add3A_114 : i32 to vector<16xi32>
        %add3A_116 = arith.addi %mul3A_113, %add3A_115 : vector<16xi32>
        %gather3A_117 = tpu.vector_load_idx %run_scoped3A[%add3A_116] : memref<6272xf32, #tpu.memory_space<vmem>>[vector<16xi32>], vector<16xf32>,
        %add3A_118 = arith.constant 1 : i32
        %add3A_119 = vector.broadcast %add3A_118 : i32 to vector<16xi32>
        %add3A_120 = arith.addi %add3A_116, %add3A_119 : vector<16xi32>
        %gather3A_121 = tpu.vector_load_idx %run_scoped3A[%add3A_120] : memref<6272xf32, #tpu.memory_space<vmem>>[vector<16xi32>], vector<16xf32>,
        %convert_element_type3A_122 = arith.fptosi %gather3A_117 : vector<16xf32> to vector<16xi32>
        %convert_element_type3A_123 = arith.fptosi %gather3A_121 : vector<16xf32> to vector<16xi32>
        %convert_element_type3A_124 = arith.sitofp %convert_element_type3A_122 : vector<16xi32> to vector<16xf32>
        %sub3A_125 = arith.subf %gather3A_117, %convert_element_type3A_124 : vector<16xf32>
        %sub3A_126 = arith.constant 1.000000e+00 : f32
        %sub3A_127 = vector.broadcast %sub3A_126 : f32 to vector<16xf32>
        %sub3A_128 = arith.subf %sub3A_127, %sub3A_125 : vector<16xf32>
        %convert_element_type3A_129 = arith.sitofp %convert_element_type3A_123 : vector<16xi32> to vector<16xf32>
        %sub3A_130 = arith.subf %gather3A_121, %convert_element_type3A_129 : vector<16xf32>
        %sub3A_131 = arith.constant 1.000000e+00 : f32
        %sub3A_132 = vector.broadcast %sub3A_131 : f32 to vector<16xf32>
        %sub3A_133 = arith.subf %sub3A_132, %sub3A_130 : vector<16xf32>
        %max3A_134 = arith.constant 0 : i32
        %max3A_135 = vector.broadcast %max3A_134 : i32 to vector<16xi32>
        %max3A_136 = arith.maxsi %convert_element_type3A_122, %max3A_135 : vector<16xi32>
        %min3A_137 = arith.constant 223 : i32
        %min3A_138 = vector.broadcast %min3A_137 : i32 to vector<16xi32>
        %min3A_139 = arith.minsi %max3A_136, %min3A_138 : vector<16xi32>
        %add3A_140 = arith.constant 1 : i32
        %add3A_141 = vector.broadcast %add3A_140 : i32 to vector<16xi32>
        %add3A_142 = arith.addi %min3A_139, %add3A_141 : vector<16xi32>
        %min3A_143 = arith.constant 223 : i32
        %min3A_144 = vector.broadcast %min3A_143 : i32 to vector<16xi32>
        %min3A_145 = arith.minsi %add3A_142, %min3A_144 : vector<16xi32>
        %max3A_146 = arith.constant 0 : i32
        %max3A_147 = vector.broadcast %max3A_146 : i32 to vector<16xi32>
        %max3A_148 = arith.maxsi %convert_element_type3A_123, %max3A_147 : vector<16xi32>
        %min3A_149 = arith.constant 223 : i32
        %min3A_150 = vector.broadcast %min3A_149 : i32 to vector<16xi32>
        %min3A_151 = arith.minsi %max3A_148, %min3A_150 : vector<16xi32>
        %add3A_152 = arith.constant 1 : i32
        %add3A_153 = vector.broadcast %add3A_152 : i32 to vector<16xi32>
        %add3A_154 = arith.addi %min3A_151, %add3A_153 : vector<16xi32>
        %min3A_155 = arith.constant 223 : i32
        %min3A_156 = vector.broadcast %min3A_155 : i32 to vector<16xi32>
        %min3A_157 = arith.minsi %add3A_154, %min3A_156 : vector<16xi32>
        %mul3A_158 = arith.constant 224 : i32
        %mul3A_159 = vector.broadcast %mul3A_158 : i32 to vector<16xi32>
        %mul3A_160 = arith.muli %min3A_151, %mul3A_159 : vector<16xi32>
        %mul3A_161 = arith.constant 224 : i32
        %mul3A_162 = vector.broadcast %mul3A_161 : i32 to vector<16xi32>
        %mul3A_163 = arith.muli %min3A_157, %mul3A_162 : vector<16xi32>
        %mul3A_164 = arith.constant 16 : i32
        %mul3A_165 = arith.muli %scan3A_6, %mul3A_164 : i32
        %add3A_166 = arith.addi %mul3A_160, %min3A_139 : vector<16xi32>
        %swap3A_167 = arith.constant 4 : i32
        %swap3A_168 = arith.index_cast %swap3A_167 : i32 to index
        %swap3A_169 = arith.index_cast %mul3A_165 : i32 to index
        %swap3A_170 = tpu.vector_load %arg5[%swap3A_168, %swap3A_169] {strides = array<i32>} : memref<16x784xi32, #tpu.memory_space<vmem>>, vector<16xi32>,
        tpu.vector_store %arg5[%swap3A_168, %swap3A_169], %add3A_166 {strides = array<i32>} : memref<16x784xi32, #tpu.memory_space<vmem>>, vector<16xi32>,
        %mul3A_171 = arith.mulf %sub3A_133, %sub3A_128 : vector<16xf32>
        %mul3A_172 = arith.constant 2.500000e-01 : f32
        %mul3A_173 = vector.broadcast %mul3A_172 : f32 to vector<16xf32>
        %mul3A_174 = arith.mulf %mul3A_171, %mul3A_173 : vector<16xf32>
        %swap3A_175 = arith.constant 4 : i32
        %swap3A_176 = arith.index_cast %swap3A_175 : i32 to index
        %swap3A_177 = arith.index_cast %mul3A_165 : i32 to index
        %swap3A_178 = tpu.vector_load %arg6[%swap3A_176, %swap3A_177] {strides = array<i32>} : memref<16x784xf32, #tpu.memory_space<vmem>>, vector<16xf32>,
        tpu.vector_store %arg6[%swap3A_176, %swap3A_177], %mul3A_174 {strides = array<i32>} : memref<16x784xf32, #tpu.memory_space<vmem>>, vector<16xf32>,
        %add3A_179 = arith.addi %mul3A_160, %min3A_145 : vector<16xi32>
        %swap3A_180 = arith.constant 5 : i32
        %swap3A_181 = arith.index_cast %swap3A_180 : i32 to index
        %swap3A_182 = arith.index_cast %mul3A_165 : i32 to index
        %swap3A_183 = tpu.vector_load %arg5[%swap3A_181, %swap3A_182] {strides = array<i32>} : memref<16x784xi32, #tpu.memory_space<vmem>>, vector<16xi32>,
        tpu.vector_store %arg5[%swap3A_181, %swap3A_182], %add3A_179 {strides = array<i32>} : memref<16x784xi32, #tpu.memory_space<vmem>>, vector<16xi32>,
        %mul3A_184 = arith.mulf %sub3A_133, %sub3A_125 : vector<16xf32>
        %mul3A_185 = arith.constant 2.500000e-01 : f32
        %mul3A_186 = vector.broadcast %mul3A_185 : f32 to vector<16xf32>
        %mul3A_187 = arith.mulf %mul3A_184, %mul3A_186 : vector<16xf32>
        %swap3A_188 = arith.constant 5 : i32
        %swap3A_189 = arith.index_cast %swap3A_188 : i32 to index
        %swap3A_190 = arith.index_cast %mul3A_165 : i32 to index
        %swap3A_191 = tpu.vector_load %arg6[%swap3A_189, %swap3A_190] {strides = array<i32>} : memref<16x784xf32, #tpu.memory_space<vmem>>, vector<16xf32>,
        tpu.vector_store %arg6[%swap3A_189, %swap3A_190], %mul3A_187 {strides = array<i32>} : memref<16x784xf32, #tpu.memory_space<vmem>>, vector<16xf32>,
        %add3A_192 = arith.addi %mul3A_163, %min3A_139 : vector<16xi32>
        %swap3A_193 = arith.constant 6 : i32
        %swap3A_194 = arith.index_cast %swap3A_193 : i32 to index
        %swap3A_195 = arith.index_cast %mul3A_165 : i32 to index
        %swap3A_196 = tpu.vector_load %arg5[%swap3A_194, %swap3A_195] {strides = array<i32>} : memref<16x784xi32, #tpu.memory_space<vmem>>, vector<16xi32>,
        tpu.vector_store %arg5[%swap3A_194, %swap3A_195], %add3A_192 {strides = array<i32>} : memref<16x784xi32, #tpu.memory_space<vmem>>, vector<16xi32>,
        %mul3A_197 = arith.mulf %sub3A_130, %sub3A_128 : vector<16xf32>
        %mul3A_198 = arith.constant 2.500000e-01 : f32
        %mul3A_199 = vector.broadcast %mul3A_198 : f32 to vector<16xf32>
        %mul3A_200 = arith.mulf %mul3A_197, %mul3A_199 : vector<16xf32>
        %swap3A_201 = arith.constant 6 : i32
        %swap3A_202 = arith.index_cast %swap3A_201 : i32 to index
        %swap3A_203 = arith.index_cast %mul3A_165 : i32 to index
        %swap3A_204 = tpu.vector_load %arg6[%swap3A_202, %swap3A_203] {strides = array<i32>} : memref<16x784xf32, #tpu.memory_space<vmem>>, vector<16xf32>,
        tpu.vector_store %arg6[%swap3A_202, %swap3A_203], %mul3A_200 {strides = array<i32>} : memref<16x784xf32, #tpu.memory_space<vmem>>, vector<16xf32>,
        %add3A_205 = arith.addi %mul3A_163, %min3A_145 : vector<16xi32>
        %swap3A_206 = arith.constant 7 : i32
        %swap3A_207 = arith.index_cast %swap3A_206 : i32 to index
        %swap3A_208 = arith.index_cast %mul3A_165 : i32 to index
        %swap3A_209 = tpu.vector_load %arg5[%swap3A_207, %swap3A_208] {strides = array<i32>} : memref<16x784xi32, #tpu.memory_space<vmem>>, vector<16xi32>,
        tpu.vector_store %arg5[%swap3A_207, %swap3A_208], %add3A_205 {strides = array<i32>} : memref<16x784xi32, #tpu.memory_space<vmem>>, vector<16xi32>,
        %mul3A_210 = arith.mulf %sub3A_130, %sub3A_125 : vector<16xf32>
        %mul3A_211 = arith.constant 2.500000e-01 : f32
        %mul3A_212 = vector.broadcast %mul3A_211 : f32 to vector<16xf32>
        %mul3A_213 = arith.mulf %mul3A_210, %mul3A_212 : vector<16xf32>
        %swap3A_214 = arith.constant 7 : i32
        %swap3A_215 = arith.index_cast %swap3A_214 : i32 to index
        %swap3A_216 = arith.index_cast %mul3A_165 : i32 to index
        %swap3A_217 = tpu.vector_load %arg6[%swap3A_215, %swap3A_216] {strides = array<i32>} : memref<16x784xf32, #tpu.memory_space<vmem>>, vector<16xf32>,
        tpu.vector_store %arg6[%swap3A_215, %swap3A_216], %mul3A_213 {strides = array<i32>} : memref<16x784xf32, #tpu.memory_space<vmem>>, vector<16xf32>,
        %mul3A_218 = arith.constant 8 : i32
        %mul3A_219 = vector.broadcast %mul3A_218 : i32 to vector<16xi32>
        %mul3A_220 = arith.muli %add3A_9, %mul3A_219 : vector<16xi32>
        %add3A_221 = arith.constant 4 : i32
        %add3A_222 = vector.broadcast %add3A_221 : i32 to vector<16xi32>
        %add3A_223 = arith.addi %mul3A_220, %add3A_222 : vector<16xi32>
        %gather3A_224 = tpu.vector_load_idx %run_scoped3A[%add3A_223] : memref<6272xf32, #tpu.memory_space<vmem>>[vector<16xi32>], vector<16xf32>,
        %add3A_225 = arith.constant 1 : i32
        %add3A_226 = vector.broadcast %add3A_225 : i32 to vector<16xi32>
        %add3A_227 = arith.addi %add3A_223, %add3A_226 : vector<16xi32>
        %gather3A_228 = tpu.vector_load_idx %run_scoped3A[%add3A_227] : memref<6272xf32, #tpu.memory_space<vmem>>[vector<16xi32>], vector<16xf32>,
        %convert_element_type3A_229 = arith.fptosi %gather3A_224 : vector<16xf32> to vector<16xi32>
        %convert_element_type3A_230 = arith.fptosi %gather3A_228 : vector<16xf32> to vector<16xi32>
        %convert_element_type3A_231 = arith.sitofp %convert_element_type3A_229 : vector<16xi32> to vector<16xf32>
        %sub3A_232 = arith.subf %gather3A_224, %convert_element_type3A_231 : vector<16xf32>
        %sub3A_233 = arith.constant 1.000000e+00 : f32
        %sub3A_234 = vector.broadcast %sub3A_233 : f32 to vector<16xf32>
        %sub3A_235 = arith.subf %sub3A_234, %sub3A_232 : vector<16xf32>
        %convert_element_type3A_236 = arith.sitofp %convert_element_type3A_230 : vector<16xi32> to vector<16xf32>
        %sub3A_237 = arith.subf %gather3A_228, %convert_element_type3A_236 : vector<16xf32>
        %sub3A_238 = arith.constant 1.000000e+00 : f32
        %sub3A_239 = vector.broadcast %sub3A_238 : f32 to vector<16xf32>
        %sub3A_240 = arith.subf %sub3A_239, %sub3A_237 : vector<16xf32>
        %max3A_241 = arith.constant 0 : i32
        %max3A_242 = vector.broadcast %max3A_241 : i32 to vector<16xi32>
        %max3A_243 = arith.maxsi %convert_element_type3A_229, %max3A_242 : vector<16xi32>
        %min3A_244 = arith.constant 223 : i32
        %min3A_245 = vector.broadcast %min3A_244 : i32 to vector<16xi32>
        %min3A_246 = arith.minsi %max3A_243, %min3A_245 : vector<16xi32>
        %add3A_247 = arith.constant 1 : i32
        %add3A_248 = vector.broadcast %add3A_247 : i32 to vector<16xi32>
        %add3A_249 = arith.addi %min3A_246, %add3A_248 : vector<16xi32>
        %min3A_250 = arith.constant 223 : i32
        %min3A_251 = vector.broadcast %min3A_250 : i32 to vector<16xi32>
        %min3A_252 = arith.minsi %add3A_249, %min3A_251 : vector<16xi32>
        %max3A_253 = arith.constant 0 : i32
        %max3A_254 = vector.broadcast %max3A_253 : i32 to vector<16xi32>
        %max3A_255 = arith.maxsi %convert_element_type3A_230, %max3A_254 : vector<16xi32>
        %min3A_256 = arith.constant 223 : i32
        %min3A_257 = vector.broadcast %min3A_256 : i32 to vector<16xi32>
        %min3A_258 = arith.minsi %max3A_255, %min3A_257 : vector<16xi32>
        %add3A_259 = arith.constant 1 : i32
        %add3A_260 = vector.broadcast %add3A_259 : i32 to vector<16xi32>
        %add3A_261 = arith.addi %min3A_258, %add3A_260 : vector<16xi32>
        %min3A_262 = arith.constant 223 : i32
        %min3A_263 = vector.broadcast %min3A_262 : i32 to vector<16xi32>
        %min3A_264 = arith.minsi %add3A_261, %min3A_263 : vector<16xi32>
        %mul3A_265 = arith.constant 224 : i32
        %mul3A_266 = vector.broadcast %mul3A_265 : i32 to vector<16xi32>
        %mul3A_267 = arith.muli %min3A_258, %mul3A_266 : vector<16xi32>
        %mul3A_268 = arith.constant 224 : i32
        %mul3A_269 = vector.broadcast %mul3A_268 : i32 to vector<16xi32>
        %mul3A_270 = arith.muli %min3A_264, %mul3A_269 : vector<16xi32>
        %mul3A_271 = arith.constant 16 : i32
        %mul3A_272 = arith.muli %scan3A_6, %mul3A_271 : i32
        %add3A_273 = arith.addi %mul3A_267, %min3A_246 : vector<16xi32>
        %swap3A_274 = arith.constant 8 : i32
        %swap3A_275 = arith.index_cast %swap3A_274 : i32 to index
        %swap3A_276 = arith.index_cast %mul3A_272 : i32 to index
        %swap3A_277 = tpu.vector_load %arg5[%swap3A_275, %swap3A_276] {strides = array<i32>} : memref<16x784xi32, #tpu.memory_space<vmem>>, vector<16xi32>,
        tpu.vector_store %arg5[%swap3A_275, %swap3A_276], %add3A_273 {strides = array<i32>} : memref<16x784xi32, #tpu.memory_space<vmem>>, vector<16xi32>,
        %mul3A_278 = arith.mulf %sub3A_240, %sub3A_235 : vector<16xf32>
        %mul3A_279 = arith.constant 2.500000e-01 : f32
        %mul3A_280 = vector.broadcast %mul3A_279 : f32 to vector<16xf32>
        %mul3A_281 = arith.mulf %mul3A_278, %mul3A_280 : vector<16xf32>
        %swap3A_282 = arith.constant 8 : i32
        %swap3A_283 = arith.index_cast %swap3A_282 : i32 to index
        %swap3A_284 = arith.index_cast %mul3A_272 : i32 to index
        %swap3A_285 = tpu.vector_load %arg6[%swap3A_283, %swap3A_284] {strides = array<i32>} : memref<16x784xf32, #tpu.memory_space<vmem>>, vector<16xf32>,
        tpu.vector_store %arg6[%swap3A_283, %swap3A_284], %mul3A_281 {strides = array<i32>} : memref<16x784xf32, #tpu.memory_space<vmem>>, vector<16xf32>,
        %add3A_286 = arith.addi %mul3A_267, %min3A_252 : vector<16xi32>
        %swap3A_287 = arith.constant 9 : i32
        %swap3A_288 = arith.index_cast %swap3A_287 : i32 to index
        %swap3A_289 = arith.index_cast %mul3A_272 : i32 to index
        %swap3A_290 = tpu.vector_load %arg5[%swap3A_288, %swap3A_289] {strides = array<i32>} : memref<16x784xi32, #tpu.memory_space<vmem>>, vector<16xi32>,
        tpu.vector_store %arg5[%swap3A_288, %swap3A_289], %add3A_286 {strides = array<i32>} : memref<16x784xi32, #tpu.memory_space<vmem>>, vector<16xi32>,
        %mul3A_291 = arith.mulf %sub3A_240, %sub3A_232 : vector<16xf32>
        %mul3A_292 = arith.constant 2.500000e-01 : f32
        %mul3A_293 = vector.broadcast %mul3A_292 : f32 to vector<16xf32>
        %mul3A_294 = arith.mulf %mul3A_291, %mul3A_293 : vector<16xf32>
        %swap3A_295 = arith.constant 9 : i32
        %swap3A_296 = arith.index_cast %swap3A_295 : i32 to index
        %swap3A_297 = arith.index_cast %mul3A_272 : i32 to index
        %swap3A_298 = tpu.vector_load %arg6[%swap3A_296, %swap3A_297] {strides = array<i32>} : memref<16x784xf32, #tpu.memory_space<vmem>>, vector<16xf32>,
        tpu.vector_store %arg6[%swap3A_296, %swap3A_297], %mul3A_294 {strides = array<i32>} : memref<16x784xf32, #tpu.memory_space<vmem>>, vector<16xf32>,
        %add3A_299 = arith.addi %mul3A_270, %min3A_246 : vector<16xi32>
        %swap3A_300 = arith.constant 10 : i32
        %swap3A_301 = arith.index_cast %swap3A_300 : i32 to index
        %swap3A_302 = arith.index_cast %mul3A_272 : i32 to index
        %swap3A_303 = tpu.vector_load %arg5[%swap3A_301, %swap3A_302] {strides = array<i32>} : memref<16x784xi32, #tpu.memory_space<vmem>>, vector<16xi32>,
        tpu.vector_store %arg5[%swap3A_301, %swap3A_302], %add3A_299 {strides = array<i32>} : memref<16x784xi32, #tpu.memory_space<vmem>>, vector<16xi32>,
        %mul3A_304 = arith.mulf %sub3A_237, %sub3A_235 : vector<16xf32>
        %mul3A_305 = arith.constant 2.500000e-01 : f32
        %mul3A_306 = vector.broadcast %mul3A_305 : f32 to vector<16xf32>
        %mul3A_307 = arith.mulf %mul3A_304, %mul3A_306 : vector<16xf32>
        %swap3A_308 = arith.constant 10 : i32
        %swap3A_309 = arith.index_cast %swap3A_308 : i32 to index
        %swap3A_310 = arith.index_cast %mul3A_272 : i32 to index
        %swap3A_311 = tpu.vector_load %arg6[%swap3A_309, %swap3A_310] {strides = array<i32>} : memref<16x784xf32, #tpu.memory_space<vmem>>, vector<16xf32>,
        tpu.vector_store %arg6[%swap3A_309, %swap3A_310], %mul3A_307 {strides = array<i32>} : memref<16x784xf32, #tpu.memory_space<vmem>>, vector<16xf32>,
        %add3A_312 = arith.addi %mul3A_270, %min3A_252 : vector<16xi32>
        %swap3A_313 = arith.constant 11 : i32
        %swap3A_314 = arith.index_cast %swap3A_313 : i32 to index
        %swap3A_315 = arith.index_cast %mul3A_272 : i32 to index
        %swap3A_316 = tpu.vector_load %arg5[%swap3A_314, %swap3A_315] {strides = array<i32>} : memref<16x784xi32, #tpu.memory_space<vmem>>, vector<16xi32>,
        tpu.vector_store %arg5[%swap3A_314, %swap3A_315], %add3A_312 {strides = array<i32>} : memref<16x784xi32, #tpu.memory_space<vmem>>, vector<16xi32>,
        %mul3A_317 = arith.mulf %sub3A_237, %sub3A_232 : vector<16xf32>
        %mul3A_318 = arith.constant 2.500000e-01 : f32
        %mul3A_319 = vector.broadcast %mul3A_318 : f32 to vector<16xf32>
        %mul3A_320 = arith.mulf %mul3A_317, %mul3A_319 : vector<16xf32>
        %swap3A_321 = arith.constant 11 : i32
        %swap3A_322 = arith.index_cast %swap3A_321 : i32 to index
        %swap3A_323 = arith.index_cast %mul3A_272 : i32 to index
        %swap3A_324 = tpu.vector_load %arg6[%swap3A_322, %swap3A_323] {strides = array<i32>} : memref<16x784xf32, #tpu.memory_space<vmem>>, vector<16xf32>,
        tpu.vector_store %arg6[%swap3A_322, %swap3A_323], %mul3A_320 {strides = array<i32>} : memref<16x784xf32, #tpu.memory_space<vmem>>, vector<16xf32>,
        %mul3A_325 = arith.constant 8 : i32
        %mul3A_326 = vector.broadcast %mul3A_325 : i32 to vector<16xi32>
        %mul3A_327 = arith.muli %add3A_9, %mul3A_326 : vector<16xi32>
        %add3A_328 = arith.constant 6 : i32
        %add3A_329 = vector.broadcast %add3A_328 : i32 to vector<16xi32>
        %add3A_330 = arith.addi %mul3A_327, %add3A_329 : vector<16xi32>
        %gather3A_331 = tpu.vector_load_idx %run_scoped3A[%add3A_330] : memref<6272xf32, #tpu.memory_space<vmem>>[vector<16xi32>], vector<16xf32>,
        %add3A_332 = arith.constant 1 : i32
        %add3A_333 = vector.broadcast %add3A_332 : i32 to vector<16xi32>
        %add3A_334 = arith.addi %add3A_330, %add3A_333 : vector<16xi32>
        %gather3A_335 = tpu.vector_load_idx %run_scoped3A[%add3A_334] : memref<6272xf32, #tpu.memory_space<vmem>>[vector<16xi32>], vector<16xf32>,
        %convert_element_type3A_336 = arith.fptosi %gather3A_331 : vector<16xf32> to vector<16xi32>
        %convert_element_type3A_337 = arith.fptosi %gather3A_335 : vector<16xf32> to vector<16xi32>
        %convert_element_type3A_338 = arith.sitofp %convert_element_type3A_336 : vector<16xi32> to vector<16xf32>
        %sub3A_339 = arith.subf %gather3A_331, %convert_element_type3A_338 : vector<16xf32>
        %sub3A_340 = arith.constant 1.000000e+00 : f32
        %sub3A_341 = vector.broadcast %sub3A_340 : f32 to vector<16xf32>
        %sub3A_342 = arith.subf %sub3A_341, %sub3A_339 : vector<16xf32>
        %convert_element_type3A_343 = arith.sitofp %convert_element_type3A_337 : vector<16xi32> to vector<16xf32>
        %sub3A_344 = arith.subf %gather3A_335, %convert_element_type3A_343 : vector<16xf32>
        %sub3A_345 = arith.constant 1.000000e+00 : f32
        %sub3A_346 = vector.broadcast %sub3A_345 : f32 to vector<16xf32>
        %sub3A_347 = arith.subf %sub3A_346, %sub3A_344 : vector<16xf32>
        %max3A_348 = arith.constant 0 : i32
        %max3A_349 = vector.broadcast %max3A_348 : i32 to vector<16xi32>
        %max3A_350 = arith.maxsi %convert_element_type3A_336, %max3A_349 : vector<16xi32>
        %min3A_351 = arith.constant 223 : i32
        %min3A_352 = vector.broadcast %min3A_351 : i32 to vector<16xi32>
        %min3A_353 = arith.minsi %max3A_350, %min3A_352 : vector<16xi32>
        %add3A_354 = arith.constant 1 : i32
        %add3A_355 = vector.broadcast %add3A_354 : i32 to vector<16xi32>
        %add3A_356 = arith.addi %min3A_353, %add3A_355 : vector<16xi32>
        %min3A_357 = arith.constant 223 : i32
        %min3A_358 = vector.broadcast %min3A_357 : i32 to vector<16xi32>
        %min3A_359 = arith.minsi %add3A_356, %min3A_358 : vector<16xi32>
        %max3A_360 = arith.constant 0 : i32
        %max3A_361 = vector.broadcast %max3A_360 : i32 to vector<16xi32>
        %max3A_362 = arith.maxsi %convert_element_type3A_337, %max3A_361 : vector<16xi32>
        %min3A_363 = arith.constant 223 : i32
        %min3A_364 = vector.broadcast %min3A_363 : i32 to vector<16xi32>
        %min3A_365 = arith.minsi %max3A_362, %min3A_364 : vector<16xi32>
        %add3A_366 = arith.constant 1 : i32
        %add3A_367 = vector.broadcast %add3A_366 : i32 to vector<16xi32>
        %add3A_368 = arith.addi %min3A_365, %add3A_367 : vector<16xi32>
        %min3A_369 = arith.constant 223 : i32
        %min3A_370 = vector.broadcast %min3A_369 : i32 to vector<16xi32>
        %min3A_371 = arith.minsi %add3A_368, %min3A_370 : vector<16xi32>
        %mul3A_372 = arith.constant 224 : i32
        %mul3A_373 = vector.broadcast %mul3A_372 : i32 to vector<16xi32>
        %mul3A_374 = arith.muli %min3A_365, %mul3A_373 : vector<16xi32>
        %mul3A_375 = arith.constant 224 : i32
        %mul3A_376 = vector.broadcast %mul3A_375 : i32 to vector<16xi32>
        %mul3A_377 = arith.muli %min3A_371, %mul3A_376 : vector<16xi32>
        %mul3A_378 = arith.constant 16 : i32
        %mul3A_379 = arith.muli %scan3A_6, %mul3A_378 : i32
        %add3A_380 = arith.addi %mul3A_374, %min3A_353 : vector<16xi32>
        %swap3A_381 = arith.constant 12 : i32
        %swap3A_382 = arith.index_cast %swap3A_381 : i32 to index
        %swap3A_383 = arith.index_cast %mul3A_379 : i32 to index
        %swap3A_384 = tpu.vector_load %arg5[%swap3A_382, %swap3A_383] {strides = array<i32>} : memref<16x784xi32, #tpu.memory_space<vmem>>, vector<16xi32>,
        tpu.vector_store %arg5[%swap3A_382, %swap3A_383], %add3A_380 {strides = array<i32>} : memref<16x784xi32, #tpu.memory_space<vmem>>, vector<16xi32>,
        %mul3A_385 = arith.mulf %sub3A_347, %sub3A_342 : vector<16xf32>
        %mul3A_386 = arith.constant 2.500000e-01 : f32
        %mul3A_387 = vector.broadcast %mul3A_386 : f32 to vector<16xf32>
        %mul3A_388 = arith.mulf %mul3A_385, %mul3A_387 : vector<16xf32>
        %swap3A_389 = arith.constant 12 : i32
        %swap3A_390 = arith.index_cast %swap3A_389 : i32 to index
        %swap3A_391 = arith.index_cast %mul3A_379 : i32 to index
        %swap3A_392 = tpu.vector_load %arg6[%swap3A_390, %swap3A_391] {strides = array<i32>} : memref<16x784xf32, #tpu.memory_space<vmem>>, vector<16xf32>,
        tpu.vector_store %arg6[%swap3A_390, %swap3A_391], %mul3A_388 {strides = array<i32>} : memref<16x784xf32, #tpu.memory_space<vmem>>, vector<16xf32>,
        %add3A_393 = arith.addi %mul3A_374, %min3A_359 : vector<16xi32>
        %swap3A_394 = arith.constant 13 : i32
        %swap3A_395 = arith.index_cast %swap3A_394 : i32 to index
        %swap3A_396 = arith.index_cast %mul3A_379 : i32 to index
        %swap3A_397 = tpu.vector_load %arg5[%swap3A_395, %swap3A_396] {strides = array<i32>} : memref<16x784xi32, #tpu.memory_space<vmem>>, vector<16xi32>,
        tpu.vector_store %arg5[%swap3A_395, %swap3A_396], %add3A_393 {strides = array<i32>} : memref<16x784xi32, #tpu.memory_space<vmem>>, vector<16xi32>,
        %mul3A_398 = arith.mulf %sub3A_347, %sub3A_339 : vector<16xf32>
        %mul3A_399 = arith.constant 2.500000e-01 : f32
        %mul3A_400 = vector.broadcast %mul3A_399 : f32 to vector<16xf32>
        %mul3A_401 = arith.mulf %mul3A_398, %mul3A_400 : vector<16xf32>
        %swap3A_402 = arith.constant 13 : i32
        %swap3A_403 = arith.index_cast %swap3A_402 : i32 to index
        %swap3A_404 = arith.index_cast %mul3A_379 : i32 to index
        %swap3A_405 = tpu.vector_load %arg6[%swap3A_403, %swap3A_404] {strides = array<i32>} : memref<16x784xf32, #tpu.memory_space<vmem>>, vector<16xf32>,
        tpu.vector_store %arg6[%swap3A_403, %swap3A_404], %mul3A_401 {strides = array<i32>} : memref<16x784xf32, #tpu.memory_space<vmem>>, vector<16xf32>,
        %add3A_406 = arith.addi %mul3A_377, %min3A_353 : vector<16xi32>
        %swap3A_407 = arith.constant 14 : i32
        %swap3A_408 = arith.index_cast %swap3A_407 : i32 to index
        %swap3A_409 = arith.index_cast %mul3A_379 : i32 to index
        %swap3A_410 = tpu.vector_load %arg5[%swap3A_408, %swap3A_409] {strides = array<i32>} : memref<16x784xi32, #tpu.memory_space<vmem>>, vector<16xi32>,
        tpu.vector_store %arg5[%swap3A_408, %swap3A_409], %add3A_406 {strides = array<i32>} : memref<16x784xi32, #tpu.memory_space<vmem>>, vector<16xi32>,
        %mul3A_411 = arith.mulf %sub3A_344, %sub3A_342 : vector<16xf32>
        %mul3A_412 = arith.constant 2.500000e-01 : f32
        %mul3A_413 = vector.broadcast %mul3A_412 : f32 to vector<16xf32>
        %mul3A_414 = arith.mulf %mul3A_411, %mul3A_413 : vector<16xf32>
        %swap3A_415 = arith.constant 14 : i32
        %swap3A_416 = arith.index_cast %swap3A_415 : i32 to index
        %swap3A_417 = arith.index_cast %mul3A_379 : i32 to index
        %swap3A_418 = tpu.vector_load %arg6[%swap3A_416, %swap3A_417] {strides = array<i32>} : memref<16x784xf32, #tpu.memory_space<vmem>>, vector<16xf32>,
        tpu.vector_store %arg6[%swap3A_416, %swap3A_417], %mul3A_414 {strides = array<i32>} : memref<16x784xf32, #tpu.memory_space<vmem>>, vector<16xf32>,
        %add3A_419 = arith.addi %mul3A_377, %min3A_359 : vector<16xi32>
        %swap3A_420 = arith.constant 15 : i32
        %swap3A_421 = arith.index_cast %swap3A_420 : i32 to index
        %swap3A_422 = arith.index_cast %mul3A_379 : i32 to index
        %swap3A_423 = tpu.vector_load %arg5[%swap3A_421, %swap3A_422] {strides = array<i32>} : memref<16x784xi32, #tpu.memory_space<vmem>>, vector<16xi32>,
        tpu.vector_store %arg5[%swap3A_421, %swap3A_422], %add3A_419 {strides = array<i32>} : memref<16x784xi32, #tpu.memory_space<vmem>>, vector<16xi32>,
        %mul3A_424 = arith.mulf %sub3A_344, %sub3A_339 : vector<16xf32>
        %mul3A_425 = arith.constant 2.500000e-01 : f32
        %mul3A_426 = vector.broadcast %mul3A_425 : f32 to vector<16xf32>
        %mul3A_427 = arith.mulf %mul3A_424, %mul3A_426 : vector<16xf32>
        %swap3A_428 = arith.constant 15 : i32
        %swap3A_429 = arith.index_cast %swap3A_428 : i32 to index
        %swap3A_430 = arith.index_cast %mul3A_379 : i32 to index
        %swap3A_431 = tpu.vector_load %arg6[%swap3A_429, %swap3A_430] {strides = array<i32>} : memref<16x784xf32, #tpu.memory_space<vmem>>, vector<16xf32>,
        tpu.vector_store %arg6[%swap3A_429, %swap3A_430], %mul3A_427 {strides = array<i32>} : memref<16x784xf32, #tpu.memory_space<vmem>>, vector<16xf32>,
      }
      %scan3A_5 = arith.constant 49 : i32
      tpu.yield
    }) : () -> ()
    "tpu.region"() ({
      %run_scoped3A = memref.alloca() : memref<50176xf32, #tpu.memory_space<vmem>>
      %scan3A = arith.constant 0 : i32
      %scan3A_0 = arith.constant 0 : i32
      %scan3A_1 = arith.constant 384 : i32
      %scan3A_2 = arith.addi %scan3A_0, %scan3A_1 : i32
      %scan3A_3 = arith.constant 1 : i32
      scf.for %scan3A_5 = %scan3A_0 to %scan3A_2 step %scan3A_3  : i32 {
        %mul3A = arith.constant 384 : i32
        %mul3A_6 = arith.muli %arg0, %mul3A : i32
        %add3A = arith.addi %mul3A_6, %scan3A_5 : i32
        %mul3A_7 = arith.constant 50176 : i32
        %mul3A_8 = arith.muli %add3A, %mul3A_7 : i32
        "tpu.region"() ({
          %run_scoped3A_20 = tpu.sem_alloc : memref<!tpu.dma_semaphore, #tpu.memory_space<semaphore_mem>>
          %dma_start3A = tpu.memref_slice %arg2[%mul3A_8] : memref<38535168xf32, #tpu.memory_space<hbm>> -> memref<50176xf32, #tpu.memory_space<hbm>>
          %dma_start3A_21 = tpu.memref_slice %arg2[%mul3A_8] : memref<38535168xf32, #tpu.memory_space<hbm>> -> memref<50176xf32, #tpu.memory_space<hbm>>
          tpu.enqueue_dma source(%dma_start3A_21 : memref<50176xf32, #tpu.memory_space<hbm>>) target(%run_scoped3A : memref<50176xf32, #tpu.memory_space<vmem>>) target_semaphore(%run_scoped3A_20 : memref<!tpu.dma_semaphore, #tpu.memory_space<semaphore_mem>>)
          %dma_wait3A = tpu.memref_slice %arg2[%mul3A_8] : memref<38535168xf32, #tpu.memory_space<hbm>> -> memref<50176xf32, #tpu.memory_space<hbm>>
          %dma_wait3A_22 = tpu.memref_slice %arg2[%mul3A_8] : memref<38535168xf32, #tpu.memory_space<hbm>> -> memref<50176xf32, #tpu.memory_space<hbm>>
          tpu.wait_dma2 semaphore(%run_scoped3A_20 : memref<!tpu.dma_semaphore, #tpu.memory_space<semaphore_mem>>) src(%dma_wait3A_22 : memref<50176xf32, #tpu.memory_space<hbm>>) dst(%run_scoped3A : memref<50176xf32, #tpu.memory_space<vmem>>)
          tpu.yield
        }) : () -> ()
        %scan3A_9 = arith.constant 0 : i32
        %scan3A_10 = arith.constant 0 : i32
        %scan3A_11 = arith.constant 49 : i32
        %scan3A_12 = arith.addi %scan3A_10, %scan3A_11 : i32
        %scan3A_13 = arith.constant 1 : i32
        scf.for %scan3A_20 = %scan3A_10 to %scan3A_12 step %scan3A_13  : i32 {
          %mul3A_21 = arith.constant 16 : i32
          %mul3A_22 = arith.muli %scan3A_20, %mul3A_21 : i32
          %broadcast_in_dim3A = arith.constant 0.000000e+00 : f32
          %broadcast_in_dim3A_23 = vector.broadcast %broadcast_in_dim3A : f32 to vector<16xf32>
          %get3A = arith.constant 0 : i32
          %get3A_24 = arith.index_cast %get3A : i32 to index
          %get3A_25 = arith.index_cast %mul3A_22 : i32 to index
          %get3A_26 = tpu.vector_load %arg5[%get3A_24, %get3A_25] {strides = array<i32>} : memref<16x784xi32, #tpu.memory_space<vmem>>, vector<16xi32>,
          %get3A_27 = arith.constant 0 : i32
          %get3A_28 = arith.index_cast %get3A_27 : i32 to index
          %get3A_29 = arith.index_cast %mul3A_22 : i32 to index
          %get3A_30 = tpu.vector_load %arg6[%get3A_28, %get3A_29] {strides = array<i32>} : memref<16x784xf32, #tpu.memory_space<vmem>>, vector<16xf32>,
          %gather3A = tpu.vector_load_idx %run_scoped3A[%get3A_26] : memref<50176xf32, #tpu.memory_space<vmem>>[vector<16xi32>], vector<16xf32>,
          %mul3A_31 = arith.mulf %get3A_30, %gather3A : vector<16xf32>
          %add3A_32 = arith.addf %broadcast_in_dim3A_23, %mul3A_31 : vector<16xf32>
          %get3A_33 = arith.constant 1 : i32
          %get3A_34 = arith.index_cast %get3A_33 : i32 to index
          %get3A_35 = arith.index_cast %mul3A_22 : i32 to index
          %get3A_36 = tpu.vector_load %arg5[%get3A_34, %get3A_35] {strides = array<i32>} : memref<16x784xi32, #tpu.memory_space<vmem>>, vector<16xi32>,
          %get3A_37 = arith.constant 1 : i32
          %get3A_38 = arith.index_cast %get3A_37 : i32 to index
          %get3A_39 = arith.index_cast %mul3A_22 : i32 to index
          %get3A_40 = tpu.vector_load %arg6[%get3A_38, %get3A_39] {strides = array<i32>} : memref<16x784xf32, #tpu.memory_space<vmem>>, vector<16xf32>,
          %gather3A_41 = tpu.vector_load_idx %run_scoped3A[%get3A_36] : memref<50176xf32, #tpu.memory_space<vmem>>[vector<16xi32>], vector<16xf32>,
          %mul3A_42 = arith.mulf %get3A_40, %gather3A_41 : vector<16xf32>
          %add3A_43 = arith.addf %add3A_32, %mul3A_42 : vector<16xf32>
          %get3A_44 = arith.constant 2 : i32
          %get3A_45 = arith.index_cast %get3A_44 : i32 to index
          %get3A_46 = arith.index_cast %mul3A_22 : i32 to index
          %get3A_47 = tpu.vector_load %arg5[%get3A_45, %get3A_46] {strides = array<i32>} : memref<16x784xi32, #tpu.memory_space<vmem>>, vector<16xi32>,
          %get3A_48 = arith.constant 2 : i32
          %get3A_49 = arith.index_cast %get3A_48 : i32 to index
          %get3A_50 = arith.index_cast %mul3A_22 : i32 to index
          %get3A_51 = tpu.vector_load %arg6[%get3A_49, %get3A_50] {strides = array<i32>} : memref<16x784xf32, #tpu.memory_space<vmem>>, vector<16xf32>,
          %gather3A_52 = tpu.vector_load_idx %run_scoped3A[%get3A_47] : memref<50176xf32, #tpu.memory_space<vmem>>[vector<16xi32>], vector<16xf32>,
          %mul3A_53 = arith.mulf %get3A_51, %gather3A_52 : vector<16xf32>
          %add3A_54 = arith.addf %add3A_43, %mul3A_53 : vector<16xf32>
          %get3A_55 = arith.constant 3 : i32
          %get3A_56 = arith.index_cast %get3A_55 : i32 to index
          %get3A_57 = arith.index_cast %mul3A_22 : i32 to index
          %get3A_58 = tpu.vector_load %arg5[%get3A_56, %get3A_57] {strides = array<i32>} : memref<16x784xi32, #tpu.memory_space<vmem>>, vector<16xi32>,
          %get3A_59 = arith.constant 3 : i32
          %get3A_60 = arith.index_cast %get3A_59 : i32 to index
          %get3A_61 = arith.index_cast %mul3A_22 : i32 to index
          %get3A_62 = tpu.vector_load %arg6[%get3A_60, %get3A_61] {strides = array<i32>} : memref<16x784xf32, #tpu.memory_space<vmem>>, vector<16xf32>,
          %gather3A_63 = tpu.vector_load_idx %run_scoped3A[%get3A_58] : memref<50176xf32, #tpu.memory_space<vmem>>[vector<16xi32>], vector<16xf32>,
          %mul3A_64 = arith.mulf %get3A_62, %gather3A_63 : vector<16xf32>
          %add3A_65 = arith.addf %add3A_54, %mul3A_64 : vector<16xf32>
          %get3A_66 = arith.constant 4 : i32
          %get3A_67 = arith.index_cast %get3A_66 : i32 to index
          %get3A_68 = arith.index_cast %mul3A_22 : i32 to index
          %get3A_69 = tpu.vector_load %arg5[%get3A_67, %get3A_68] {strides = array<i32>} : memref<16x784xi32, #tpu.memory_space<vmem>>, vector<16xi32>,
          %get3A_70 = arith.constant 4 : i32
          %get3A_71 = arith.index_cast %get3A_70 : i32 to index
          %get3A_72 = arith.index_cast %mul3A_22 : i32 to index
          %get3A_73 = tpu.vector_load %arg6[%get3A_71, %get3A_72] {strides = array<i32>} : memref<16x784xf32, #tpu.memory_space<vmem>>, vector<16xf32>,
          %gather3A_74 = tpu.vector_load_idx %run_scoped3A[%get3A_69] : memref<50176xf32, #tpu.memory_space<vmem>>[vector<16xi32>], vector<16xf32>,
          %mul3A_75 = arith.mulf %get3A_73, %gather3A_74 : vector<16xf32>
          %add3A_76 = arith.addf %add3A_65, %mul3A_75 : vector<16xf32>
          %get3A_77 = arith.constant 5 : i32
          %get3A_78 = arith.index_cast %get3A_77 : i32 to index
          %get3A_79 = arith.index_cast %mul3A_22 : i32 to index
          %get3A_80 = tpu.vector_load %arg5[%get3A_78, %get3A_79] {strides = array<i32>} : memref<16x784xi32, #tpu.memory_space<vmem>>, vector<16xi32>,
          %get3A_81 = arith.constant 5 : i32
          %get3A_82 = arith.index_cast %get3A_81 : i32 to index
          %get3A_83 = arith.index_cast %mul3A_22 : i32 to index
          %get3A_84 = tpu.vector_load %arg6[%get3A_82, %get3A_83] {strides = array<i32>} : memref<16x784xf32, #tpu.memory_space<vmem>>, vector<16xf32>,
          %gather3A_85 = tpu.vector_load_idx %run_scoped3A[%get3A_80] : memref<50176xf32, #tpu.memory_space<vmem>>[vector<16xi32>], vector<16xf32>,
          %mul3A_86 = arith.mulf %get3A_84, %gather3A_85 : vector<16xf32>
          %add3A_87 = arith.addf %add3A_76, %mul3A_86 : vector<16xf32>
          %get3A_88 = arith.constant 6 : i32
          %get3A_89 = arith.index_cast %get3A_88 : i32 to index
          %get3A_90 = arith.index_cast %mul3A_22 : i32 to index
          %get3A_91 = tpu.vector_load %arg5[%get3A_89, %get3A_90] {strides = array<i32>} : memref<16x784xi32, #tpu.memory_space<vmem>>, vector<16xi32>,
          %get3A_92 = arith.constant 6 : i32
          %get3A_93 = arith.index_cast %get3A_92 : i32 to index
          %get3A_94 = arith.index_cast %mul3A_22 : i32 to index
          %get3A_95 = tpu.vector_load %arg6[%get3A_93, %get3A_94] {strides = array<i32>} : memref<16x784xf32, #tpu.memory_space<vmem>>, vector<16xf32>,
          %gather3A_96 = tpu.vector_load_idx %run_scoped3A[%get3A_91] : memref<50176xf32, #tpu.memory_space<vmem>>[vector<16xi32>], vector<16xf32>,
          %mul3A_97 = arith.mulf %get3A_95, %gather3A_96 : vector<16xf32>
          %add3A_98 = arith.addf %add3A_87, %mul3A_97 : vector<16xf32>
          %get3A_99 = arith.constant 7 : i32
          %get3A_100 = arith.index_cast %get3A_99 : i32 to index
          %get3A_101 = arith.index_cast %mul3A_22 : i32 to index
          %get3A_102 = tpu.vector_load %arg5[%get3A_100, %get3A_101] {strides = array<i32>} : memref<16x784xi32, #tpu.memory_space<vmem>>, vector<16xi32>,
          %get3A_103 = arith.constant 7 : i32
          %get3A_104 = arith.index_cast %get3A_103 : i32 to index
          %get3A_105 = arith.index_cast %mul3A_22 : i32 to index
          %get3A_106 = tpu.vector_load %arg6[%get3A_104, %get3A_105] {strides = array<i32>} : memref<16x784xf32, #tpu.memory_space<vmem>>, vector<16xf32>,
          %gather3A_107 = tpu.vector_load_idx %run_scoped3A[%get3A_102] : memref<50176xf32, #tpu.memory_space<vmem>>[vector<16xi32>], vector<16xf32>,
          %mul3A_108 = arith.mulf %get3A_106, %gather3A_107 : vector<16xf32>
          %add3A_109 = arith.addf %add3A_98, %mul3A_108 : vector<16xf32>
          %get3A_110 = arith.constant 8 : i32
          %get3A_111 = arith.index_cast %get3A_110 : i32 to index
          %get3A_112 = arith.index_cast %mul3A_22 : i32 to index
          %get3A_113 = tpu.vector_load %arg5[%get3A_111, %get3A_112] {strides = array<i32>} : memref<16x784xi32, #tpu.memory_space<vmem>>, vector<16xi32>,
          %get3A_114 = arith.constant 8 : i32
          %get3A_115 = arith.index_cast %get3A_114 : i32 to index
          %get3A_116 = arith.index_cast %mul3A_22 : i32 to index
          %get3A_117 = tpu.vector_load %arg6[%get3A_115, %get3A_116] {strides = array<i32>} : memref<16x784xf32, #tpu.memory_space<vmem>>, vector<16xf32>,
          %gather3A_118 = tpu.vector_load_idx %run_scoped3A[%get3A_113] : memref<50176xf32, #tpu.memory_space<vmem>>[vector<16xi32>], vector<16xf32>,
          %mul3A_119 = arith.mulf %get3A_117, %gather3A_118 : vector<16xf32>
          %add3A_120 = arith.addf %add3A_109, %mul3A_119 : vector<16xf32>
          %get3A_121 = arith.constant 9 : i32
          %get3A_122 = arith.index_cast %get3A_121 : i32 to index
          %get3A_123 = arith.index_cast %mul3A_22 : i32 to index
          %get3A_124 = tpu.vector_load %arg5[%get3A_122, %get3A_123] {strides = array<i32>} : memref<16x784xi32, #tpu.memory_space<vmem>>, vector<16xi32>,
          %get3A_125 = arith.constant 9 : i32
          %get3A_126 = arith.index_cast %get3A_125 : i32 to index
          %get3A_127 = arith.index_cast %mul3A_22 : i32 to index
          %get3A_128 = tpu.vector_load %arg6[%get3A_126, %get3A_127] {strides = array<i32>} : memref<16x784xf32, #tpu.memory_space<vmem>>, vector<16xf32>,
          %gather3A_129 = tpu.vector_load_idx %run_scoped3A[%get3A_124] : memref<50176xf32, #tpu.memory_space<vmem>>[vector<16xi32>], vector<16xf32>,
          %mul3A_130 = arith.mulf %get3A_128, %gather3A_129 : vector<16xf32>
          %add3A_131 = arith.addf %add3A_120, %mul3A_130 : vector<16xf32>
          %get3A_132 = arith.constant 10 : i32
          %get3A_133 = arith.index_cast %get3A_132 : i32 to index
          %get3A_134 = arith.index_cast %mul3A_22 : i32 to index
          %get3A_135 = tpu.vector_load %arg5[%get3A_133, %get3A_134] {strides = array<i32>} : memref<16x784xi32, #tpu.memory_space<vmem>>, vector<16xi32>,
          %get3A_136 = arith.constant 10 : i32
          %get3A_137 = arith.index_cast %get3A_136 : i32 to index
          %get3A_138 = arith.index_cast %mul3A_22 : i32 to index
          %get3A_139 = tpu.vector_load %arg6[%get3A_137, %get3A_138] {strides = array<i32>} : memref<16x784xf32, #tpu.memory_space<vmem>>, vector<16xf32>,
          %gather3A_140 = tpu.vector_load_idx %run_scoped3A[%get3A_135] : memref<50176xf32, #tpu.memory_space<vmem>>[vector<16xi32>], vector<16xf32>,
          %mul3A_141 = arith.mulf %get3A_139, %gather3A_140 : vector<16xf32>
          %add3A_142 = arith.addf %add3A_131, %mul3A_141 : vector<16xf32>
          %get3A_143 = arith.constant 11 : i32
          %get3A_144 = arith.index_cast %get3A_143 : i32 to index
          %get3A_145 = arith.index_cast %mul3A_22 : i32 to index
          %get3A_146 = tpu.vector_load %arg5[%get3A_144, %get3A_145] {strides = array<i32>} : memref<16x784xi32, #tpu.memory_space<vmem>>, vector<16xi32>,
          %get3A_147 = arith.constant 11 : i32
          %get3A_148 = arith.index_cast %get3A_147 : i32 to index
          %get3A_149 = arith.index_cast %mul3A_22 : i32 to index
          %get3A_150 = tpu.vector_load %arg6[%get3A_148, %get3A_149] {strides = array<i32>} : memref<16x784xf32, #tpu.memory_space<vmem>>, vector<16xf32>,
          %gather3A_151 = tpu.vector_load_idx %run_scoped3A[%get3A_146] : memref<50176xf32, #tpu.memory_space<vmem>>[vector<16xi32>], vector<16xf32>,
          %mul3A_152 = arith.mulf %get3A_150, %gather3A_151 : vector<16xf32>
          %add3A_153 = arith.addf %add3A_142, %mul3A_152 : vector<16xf32>
          %get3A_154 = arith.constant 12 : i32
          %get3A_155 = arith.index_cast %get3A_154 : i32 to index
          %get3A_156 = arith.index_cast %mul3A_22 : i32 to index
          %get3A_157 = tpu.vector_load %arg5[%get3A_155, %get3A_156] {strides = array<i32>} : memref<16x784xi32, #tpu.memory_space<vmem>>, vector<16xi32>,
          %get3A_158 = arith.constant 12 : i32
          %get3A_159 = arith.index_cast %get3A_158 : i32 to index
          %get3A_160 = arith.index_cast %mul3A_22 : i32 to index
          %get3A_161 = tpu.vector_load %arg6[%get3A_159, %get3A_160] {strides = array<i32>} : memref<16x784xf32, #tpu.memory_space<vmem>>, vector<16xf32>,
          %gather3A_162 = tpu.vector_load_idx %run_scoped3A[%get3A_157] : memref<50176xf32, #tpu.memory_space<vmem>>[vector<16xi32>], vector<16xf32>,
          %mul3A_163 = arith.mulf %get3A_161, %gather3A_162 : vector<16xf32>
          %add3A_164 = arith.addf %add3A_153, %mul3A_163 : vector<16xf32>
          %get3A_165 = arith.constant 13 : i32
          %get3A_166 = arith.index_cast %get3A_165 : i32 to index
          %get3A_167 = arith.index_cast %mul3A_22 : i32 to index
          %get3A_168 = tpu.vector_load %arg5[%get3A_166, %get3A_167] {strides = array<i32>} : memref<16x784xi32, #tpu.memory_space<vmem>>, vector<16xi32>,
          %get3A_169 = arith.constant 13 : i32
          %get3A_170 = arith.index_cast %get3A_169 : i32 to index
          %get3A_171 = arith.index_cast %mul3A_22 : i32 to index
          %get3A_172 = tpu.vector_load %arg6[%get3A_170, %get3A_171] {strides = array<i32>} : memref<16x784xf32, #tpu.memory_space<vmem>>, vector<16xf32>,
          %gather3A_173 = tpu.vector_load_idx %run_scoped3A[%get3A_168] : memref<50176xf32, #tpu.memory_space<vmem>>[vector<16xi32>], vector<16xf32>,
          %mul3A_174 = arith.mulf %get3A_172, %gather3A_173 : vector<16xf32>
          %add3A_175 = arith.addf %add3A_164, %mul3A_174 : vector<16xf32>
          %get3A_176 = arith.constant 14 : i32
          %get3A_177 = arith.index_cast %get3A_176 : i32 to index
          %get3A_178 = arith.index_cast %mul3A_22 : i32 to index
          %get3A_179 = tpu.vector_load %arg5[%get3A_177, %get3A_178] {strides = array<i32>} : memref<16x784xi32, #tpu.memory_space<vmem>>, vector<16xi32>,
          %get3A_180 = arith.constant 14 : i32
          %get3A_181 = arith.index_cast %get3A_180 : i32 to index
          %get3A_182 = arith.index_cast %mul3A_22 : i32 to index
          %get3A_183 = tpu.vector_load %arg6[%get3A_181, %get3A_182] {strides = array<i32>} : memref<16x784xf32, #tpu.memory_space<vmem>>, vector<16xf32>,
          %gather3A_184 = tpu.vector_load_idx %run_scoped3A[%get3A_179] : memref<50176xf32, #tpu.memory_space<vmem>>[vector<16xi32>], vector<16xf32>,
          %mul3A_185 = arith.mulf %get3A_183, %gather3A_184 : vector<16xf32>
          %add3A_186 = arith.addf %add3A_175, %mul3A_185 : vector<16xf32>
          %get3A_187 = arith.constant 15 : i32
          %get3A_188 = arith.index_cast %get3A_187 : i32 to index
          %get3A_189 = arith.index_cast %mul3A_22 : i32 to index
          %get3A_190 = tpu.vector_load %arg5[%get3A_188, %get3A_189] {strides = array<i32>} : memref<16x784xi32, #tpu.memory_space<vmem>>, vector<16xi32>,
          %get3A_191 = arith.constant 15 : i32
          %get3A_192 = arith.index_cast %get3A_191 : i32 to index
          %get3A_193 = arith.index_cast %mul3A_22 : i32 to index
          %get3A_194 = tpu.vector_load %arg6[%get3A_192, %get3A_193] {strides = array<i32>} : memref<16x784xf32, #tpu.memory_space<vmem>>, vector<16xf32>,
          %gather3A_195 = tpu.vector_load_idx %run_scoped3A[%get3A_190] : memref<50176xf32, #tpu.memory_space<vmem>>[vector<16xi32>], vector<16xf32>,
          %mul3A_196 = arith.mulf %get3A_194, %gather3A_195 : vector<16xf32>
          %add3A_197 = arith.addf %add3A_186, %mul3A_196 : vector<16xf32>
          %swap3A = arith.index_cast %mul3A_22 : i32 to index
          %swap3A_198 = tpu.vector_load %arg7[%swap3A] {strides = array<i32>} : memref<784xf32, #tpu.memory_space<vmem>>, vector<16xf32>,
          tpu.vector_store %arg7[%swap3A], %add3A_197 {strides = array<i32>} : memref<784xf32, #tpu.memory_space<vmem>>, vector<16xf32>,
        }
        %scan3A_14 = arith.constant 49 : i32
        %mul3A_15 = arith.constant 12544 : i32
        %mul3A_16 = arith.muli %add3A, %mul3A_15 : i32
        %mul3A_17 = arith.constant 784 : i32
        %mul3A_18 = arith.muli %arg1, %mul3A_17 : i32
        %add3A_19 = arith.addi %mul3A_16, %mul3A_18 : i32
        "tpu.region"() ({
          %run_scoped3A_20 = tpu.sem_alloc : memref<!tpu.dma_semaphore, #tpu.memory_space<semaphore_mem>>
          %dma_start3A = tpu.memref_slice %arg4[%add3A_19] : memref<9633792xf32, #tpu.memory_space<hbm>> -> memref<784xf32, #tpu.memory_space<hbm>>
          %dma_start3A_21 = tpu.memref_slice %arg4[%add3A_19] : memref<9633792xf32, #tpu.memory_space<hbm>> -> memref<784xf32, #tpu.memory_space<hbm>>
          tpu.enqueue_dma source(%arg7 : memref<784xf32, #tpu.memory_space<vmem>>) target(%dma_start3A_21 : memref<784xf32, #tpu.memory_space<hbm>>) target_semaphore(%run_scoped3A_20 : memref<!tpu.dma_semaphore, #tpu.memory_space<semaphore_mem>>)
          %dma_wait3A = tpu.memref_slice %arg4[%add3A_19] : memref<9633792xf32, #tpu.memory_space<hbm>> -> memref<784xf32, #tpu.memory_space<hbm>>
          %dma_wait3A_22 = tpu.memref_slice %arg4[%add3A_19] : memref<9633792xf32, #tpu.memory_space<hbm>> -> memref<784xf32, #tpu.memory_space<hbm>>
          tpu.wait_dma2 semaphore(%run_scoped3A_20 : memref<!tpu.dma_semaphore, #tpu.memory_space<semaphore_mem>>) src(%arg7 : memref<784xf32, #tpu.memory_space<vmem>>) dst(%dma_wait3A_22 : memref<784xf32, #tpu.memory_space<hbm>>)
          tpu.yield
        }) : () -> ()
      }
      %scan3A_4 = arith.constant 384 : i32
      tpu.yield
    }) : () -> ()
    return
  }
}

</mosaic_0001>

<sc_bundles>
// kernel: kernel.3.cloned.1.call-start
scs
__scs_entry_jumppad:
0x0: {  	(pc) =	sbr.rel $0x88, $3  }
0x1: {  	(tag) =	ssettag $0x0;
	lr =	simm.s32 $0x1  }
0x2: {  	[smem:$0x3F9F] =	sst lr;
	_ =	strace $0xD0000000  }
0x3: {  	_ = 	snop  }
0x4: {  	_ = 	snop  }
0x5: {  	_ = 	snop  }
0x6: {  	_ = 	snop  }
0x7: {  	_ = 	snop  }
__scs_overlays_trampoline_lowered:
0x8: {  	[smem:$0x3FAE] =	sst s0  }
0x9: {  	[smem:$0x3FAF] =	sst s1  }
0xa: {  	[smem:$0x3FB0] =	sst s2  }
0xb: {  	[smem:$0x3FB1] =	sst s3  }
0xc: {  	[smem:$0x3FB2] =	sst s4  }
0xd: {  	[smem:$0x3FB3] =	sst s5  }
0xe: {  	[smem:$0x3FB4] =	sst s6  }
0xf: {  	[smem:$0x3FB5] =	sst s7  }
0x10: {  	[smem:$0x3FB6] =	sst s8  }
0x11: {  	[smem:$0x3FB7] =	sst s9;
	s0 =	simm.s32 @!p0 $0x0  }
0x12: {  	s1 =	sld [smem:$0x3F9D];
	s0 =	simm.s32 @p0 $0x1  }
0x13: {  	[smem:$0x3FB8] =	sst s0;
	s0 =	simm.s32 @!p1 $0x0  }
0x14: {  	s2 =	sld [smem:$0x3F9C];
	s0 =	simm.s32 @p1 $0x1  }
0x15: {  	[smem:$0x3FB9] =	sst s0;
	s0 =	simm.s32 @!p2 $0x0  }
0x16: {  	s3 =	sld [smem:$0x3FDB];
	s0 =	simm.s32 @p2 $0x1  }
0x17: {  	s4 =	simm.s32 $0x1BF5;
	[smem:$0x3FBB] =	sst s0  }
0x18: {  	s0 =	sld [smem:$0x3F9E];
	_ =	swait.ge [sflag:s4], $0x0  }
0x19: {  	s7 =	sld [smem:$0x3F9F]  }
0x1a: {  	s8 =	sadd.s32 $0xFFFFE003, lr  }
0x1b: {  	s9 =	sadd.s32 $0xFFFFFEF7, lr;
	s5 =	simm.s32 $0xFFFFFFFF;
	p2 =	slt.u32 s8, $0xFFFFF086  }
0x1c: {  	p1 =	slt.u32 s9, $0xF7A;
	s5 =	simm.s32 @!p2 $0x0  }
0x1d: {  	s5 =	simm.s32 @p1 $0x1;
	p0 =	seq.s32 s7, s2  }
0x1e: {  	s7 =	smul.u32 @!p0 $0xF7A, s2;
	p2 =	seq.s32 @!p0 s5, $0x0  }
0x1f: {  	s9 =	smul.u32 $0xF7A, s1;
	s8 =	simm.s32 @!p0 $0x1BF5;
	p2 =	por !p2, p0  }
0x20: {  	[sflag:s8] =	ssyncset.s32 @!p0 $0xFFFFF086;
	s6 =	sadd.s32 @!p0 s3, s7;
	s7 =	simm.s32 @!p0 $0x108  }
0x21: {  	s3 =	sadd.s32 s3, s9;
	s6 =	sadd.s32 @!p0 $0x88, s6;
	s7 =	simm.s32 @p2 $0x1082  }
0x22: {  	[simem:s7], [sflag:s8] =	dma.local @!p0 [hbm:s6], $0xF7A  }
0x23: {  	s9 =	sor.u32 $0xD0000000, s2;
	s6 =	simm.s32 $0x108;
	_ =	swait.ge @!p0 [sflag:s8], $0x0  }
0x24: {  	s3 =	sadd.s32 $0x88, s3;
	s6 =	simm.s32 @!p1 $0x1082;
	[sflag:s4] =	ssyncset.s32 $0xFFFFF086  }
0x25: {  	[simem:s6], [sflag:s4] =	dma.local [hbm:s3], $0xF7A  }
0x26: {  	[smem:$0x3F9F] =	sst s1;
	(tag) =	ssettag s2;
	_ =	strace s9  }
0x27: {  	s1 =	sld [smem:$0x3FAF]  }
0x28: {  	s2 =	sld [smem:$0x3FB0]  }
0x29: {  	s4 =	sld [smem:$0x3FB2]  }
0x2a: {  	p0 =	seq.s32 s5, $0x0;
	s5 =	sld [smem:$0x3FB3]  }
0x2b: {  	s6 =	sld [smem:$0x3FB4]  }
0x2c: {  	s7 =	sld [smem:$0x3FB5]  }
0x2d: {  	s3 =	simm.s32 $0x108;
	s8 =	sld [smem:$0x3FB6]  }
0x2e: {  	s3 =	simm.s32 @!p0 $0x1082;
	s9 =	sld [smem:$0x3FB7]  }
0x2f: {  	lr =	sadd.s32 s0, s3;
	s0 =	sld [smem:$0x3FAE]  }
0x30: {  	s3 =	sld [smem:$0x3FB1]  }
0x31: {  	[smem:$0x3FBA] =	sst s10  }
0x32: {  	s10 =	sld [smem:$0x3FB8];
	_ =	sdelay $0x3  }
0x33: {  	p0 =	seq.s32 s10, $0x1;
	s10 =	sld [smem:$0x3FBA];
	_ =	sdelay $0x3  }
0x34: {  	[smem:$0x3FBA] =	sst s10  }
0x35: {  	s10 =	sld [smem:$0x3FB9];
	_ =	sdelay $0x3  }
0x36: {  	p1 =	seq.s32 s10, $0x1;
	s10 =	sld [smem:$0x3FBA];
	_ =	sdelay $0x3  }
0x37: {  	[smem:$0x3FBA] =	sst s10  }
0x38: {  	s10 =	sld [smem:$0x3FBB]  }
0x39: {  	_ = 	snop;
	(pc) =	sbr.ind lr, $3  }
0x3a: {  	_ = 	snop  }
0x3b: {  	_ = 	snop  }
0x3c: {  	p2 =	seq.s32 s10, $0x1;
	s10 =	sld [smem:$0x3FBA]  }
0x3d: {  	_ =	shalt  }
0x3e: {  	_ =	shalt  }
0x3f: {  	_ =	shalt  }
0x40: {  	_ =	shalt  }
0x41: {  	_ =	shalt  }
0x42: {  	_ =	shalt  }
0x43: {  	_ =	shalt  }
0x44: {  	_ =	shalt  }
0x45: {  	_ =	shalt  }
0x46: {  	_ =	shalt  }
0x47: {  	_ =	shalt  }
0x48: {  	_ =	shalt  }
0x49: {  	_ =	shalt  }
0x4a: {  	_ =	shalt  }
0x4b: {  	_ =	shalt  }
0x4c: {  	_ =	shalt  }
0x4d: {  	_ =	shalt  }
0x4e: {  	_ =	shalt  }
0x4f: {  	_ =	shalt  }
0x50: {  	_ =	shalt  }
0x51: {  	_ =	shalt  }
0x52: {  	_ =	shalt  }
0x53: {  	_ =	shalt  }
0x54: {  	_ =	shalt  }
0x55: {  	_ =	shalt  }
0x56: {  	_ =	shalt  }
0x57: {  	_ =	shalt  }
0x58: {  	_ =	shalt  }
0x59: {  	_ =	shalt  }
0x5a: {  	_ =	shalt  }
0x5b: {  	_ =	shalt  }
0x5c: {  	_ =	shalt  }
0x5d: {  	_ =	shalt  }
0x5e: {  	_ =	shalt  }
0x5f: {  	_ =	shalt  }
0x60: {  	_ =	shalt  }
0x61: {  	_ =	shalt  }
0x62: {  	_ =	shalt  }
0x63: {  	_ =	shalt  }
0x64: {  	_ =	shalt  }
0x65: {  	_ =	shalt  }
0x66: {  	_ =	shalt  }
0x67: {  	_ =	shalt  }
0x68: {  	_ =	shalt  }
0x69: {  	_ =	shalt  }
0x6a: {  	_ =	shalt  }
0x6b: {  	_ =	shalt  }
0x6c: {  	_ =	shalt  }
0x6d: {  	_ =	shalt  }
0x6e: {  	_ =	shalt  }
0x6f: {  	_ =	shalt  }
0x70: {  	_ =	shalt  }
0x71: {  	_ =	shalt  }
0x72: {  	_ =	shalt  }
0x73: {  	_ =	shalt  }
0x74: {  	_ =	shalt  }
0x75: {  	_ =	shalt  }
0x76: {  	_ =	shalt  }
0x77: {  	_ =	shalt  }
0x78: {  	_ =	shalt  }
0x79: {  	_ =	shalt  }
0x7a: {  	_ =	shalt  }
0x7b: {  	_ =	shalt  }
0x7c: {  	_ =	shalt  }
0x7d: {  	_ =	shalt  }
0x7e: {  	_ =	shalt  }
0x7f: {  	_ =	shalt  }
0x80: {  	_ =	shalt  }
0x81: {  	_ =	shalt  }
0x82: {  	_ =	shalt  }
0x83: {  	_ =	shalt  }
0x84: {  	_ =	shalt  }
0x85: {  	_ =	shalt  }
0x86: {  	_ =	shalt  }
0x87: {  	_ =	shalt  }
.Lfunc_end0:
.L_simem_size_0:
called_computation.1_lowered:
.L_overlay_start_0:
0x88: {  	s2 =	sld [smem:$0x3FD9]  }
0x89: {  	s3 =	sld [smem:$0x3FFE];
	_ =	sdelay $0x1  }
0x8a: {  	s1 =	srdreg.scid  }
0x8b: {  	s0 =	sand.u32 $0x1, s1  }
0x8c: {  	s17 =	sshll.u32 s0, $0xA;
	s2 =	sadd.s32 s3, s2  }
0x8d: {  	s2 =	sadd.s32 s2, s17  }
0x8e: {  	[smem:$0x3FC6] =	sst s2  }
0x8f: {  	_ = 	snop  }
0x90: {  	s2 =	sld [smem:$0x3FD0];
	(tm) =	ssettm $0x1  }
0x91: {  	s18 =	sld [smem:$0x3FFB];
	_ =	sdelay $0x3  }
0x92: {  	_ =	strace s18  }
0x93: {  	s3 =	sld [smem:$0x3FFC];
	_ =	sdelay $0x3  }
0x94: {  	_ =	strace s3  }
0x95: {  	s3 =	sld [smem:$0x3FFD];
	_ =	sdelay $0x3  }
0x96: {  	_ =	strace s3  }
0x97: {  	_ =	strace $0x8FFFFFFF  }
0x98: {  	s19 =	sld [smem:$0x3FDB];
	_ =	sdelay $0x1  }
0x99: {  	s4 =	simm.s32 $_scs_section_size  }
0x9a: {  	s5 =	simm.s32 $_size__tile_overlayer_lowered;
	s6 =	simm.s32 $_tile_overlayer_lowered  }
0x9b: {  	s22 =	simm.s32 $0x1BFF;
	s21 =	sshll.u32 s6, $0x1;
	s3 =	sadd.s32 s4, s19  }
0x9c: {  	s7 =	simm.s32 $0x0;
	s20 =	sshll.u32 s5, $0x1;
	s5 =	sadd.s32 s21, s3  }
0x9d: {  	[timem:s7], [sflag:s22] =	dma.local [hbm:s5], s20  }
0x9e: {  	_ =	swait.ge [sflag:s22], s20  }
0x9f: {  	s4 =	ssub.s32 $0x0, s20;
	[sflag:s22] =	ssyncset.done $0x0  }
0xa0: {  	[sflag:s22] =	ssyncadd.s32 s4;
	_ =	sdelay $0x1  }
0xa1: {  	s23 =	simm.s32 $0x1B8B  }
0xa2: {  	_ =	swait.ge [sflag:s23], $0x1  }
0xa3: {  	[sflag:s23] =	ssyncset.done $0x0  }
0xa4: {  	s25 =	simm.s32 $0x1B8E;
	s24 =	sld [smem:$0x3FFE];
	[sflag:s23] =	ssyncadd.s32 $0xFFFFFFFF  }
0xa5: {  	s26 =	simm.s32 $execute0_lowered;
	[smem:$0x3FD2] =	sst s25  }
0xa6: {  	s5 =	sshll.u32 s26, $0x1;
	_ =	strace $0x80000046;
	[dreg:$0x1] =	wrdreg $0xFFFFFFFF  }
0xa7: {  	s28 =	simm.s32 $_size_execute0_lowered;
	s3 =	sadd.s32 s3, s5;
	[dreg:$0x0] =	wrdreg $0x0  }
0xa8: {  	s5 =	sshll.u32 s28, $0x1;
	[dreg:$0x2] =	wrdreg s3  }
0xa9: {  	[dreg:$0x3] =	wrdreg s5  }
0xaa: {  	[dreg:$0x4] =	wrdreg $0xC0  }
0xab: {  	_ =	task [dreg:s7], $0x5FFFF  }
0xac: {  	[dreg:$0x1] =	wrdreg $0xFFFFFFFF  }
0xad: {  	[dreg:$0x0] =	wrdreg $0x60  }
0xae: {  	[dreg:$0x2] =	wrdreg s24  }
0xaf: {  	[dreg:$0x3] =	wrdreg s2  }
0xb0: {  	[dreg:$0x4] =	wrdreg $0x9  }
0xb1: {  	_ =	task.clear_ibuf [dreg:s7], $0x5FFFF;
	_ =	strace $0x90000046  }
0xb2: {  	s29 =	simm.s32 $0x9;
	_ =	strace $0x80000048  }
0xb3: {  	_ =	swait.ge [sflag:s29], $0x1  }
0xb4: {  	[sflag:s29] =	ssyncadd.s32 $0xFFFFFFFF  }
0xb5: {  	_ =	strace $0x90000048  }
0xb6: {  	_ =	sfence  }
0xb7: {  	s30 =	sld [smem:$0x0];
	_ =	sdelay $0x2  }
0xb8: {  	s31 =	sshll.u32 s1, $0xD;
	s1 =	sshrl.u32 s1, $0x2  }
0xb9: {  	s3 =	sand.u32 $0x4000, s31;
	s1 =	sadd.s32 s1, s30  }
0xba: {  	s0 =	sor.u32 s3, s0;
	s1 =	sshll.u32 s1, $0x11  }
0xbb: {  	s0 =	sor.u32 s1, s0  }
0xbc: {  	s0 =	sadd.s32 $0x8F2B, s0  }
0xbd: {  	[sflag:s0] =	ssyncadd.remote.s32 $0x1  }
0xbe: {  	_ =	sfence.sel $0xFFFF  }
0xbf: {  	[dreg:$0x0] =	wrdreg $0xFFFFFFFF;
	(pc) =	sbr.abs _section_cstart, $3  }
0xc0: {  	[dreg:$0x1] =	wrdreg $0xFFFFFFFF  }
0xc1: {  	_ =	task.clear_ibuf [dreg:s7], $0x2FFFF;
	_ =	strace $0x9FFFFFFF  }
0xc2: {  	(tm) =	ssettm $0x7FFFFFFF  }
0xc3: {  	_ =	shalt  }
tec
execute0_lowered:
.L_overlay_start_1:
0x0: {  	(tag) =	ssettag $0x1  }
0x1: {  	s5 =	rddreg [dreg:$0x0]  }
0x2: {  	s2 =	rddreg [dreg:$0x1]  }
0x3: {  	s0 =	rddreg [dreg:$0x2];
	s1 =	stileid.u32  }
0x4: {  	s6 =	srdreg.scid;
	s3 =	simm.s32 $0x0;
	s10 =	simm.s32 $0x1  }
0x5: {  	s11 =	simm.s32 $0x7000;
	s12 =	simm.s32 $0x0;
	s7 =	sand.u32 $0x1, s6  }
0x6: {  	s4 =	smul.u32 $0x310, s1;
	[smem:$0x7FF] =	sst s3;
	s6 =	ssub.s32 $0x2, s7  }
0x7: {  	_ =	strace $0x80000047;
	s7 =	smul.u32 $0x180, s7;
	s9 =	sshrl.u32 s6, $0x1  }
0x8: {  	v0 =	vlaneseq.u32;
	s8 =	sadd.s32 s4, s5;
	s5 =	sadd.s32 $0x540A00, s5;
	s9 =	ssub.s32 s6, s9  }
0x9: {  	v0 =	vmul.u32 $0x8, v0;
	s6 =	sadd.s32 $0xA00, s8;
	s8 =	smax.u32 s9, $0x1;
	s9 =	simm.s32 $0x7380  }
.LBB2_1:
0xa: {  	v1 =	vmov s3  }
0xb: {  	v1 =	vshll.u32 v1, $0x3  }
0xc: {  	v1 =	vor.u32 v0, v1  }
0xd: {  	[tilespmem:s9], [sflag:$0x1] =	stream.linear.gather [hbm4b:s6+s3], $0x1880, $0x38;
	v2 =	vor.u32 $0x1, v1;
	[tilespmem:$0x13780] =	vst v63  }
0xe: {  	_ =	swait.ge [sflag:s10], $0x1880  }
0xf: {  	[sflag:s10] =	ssyncset.done $0x0  }
0x10: {  	[sflag:s10] =	ssyncadd.s32 $0xFFFFE780  }
0x11: {  	v3 =	vld.idx.msk [tilespmem:v1+s9+$0x0], $0xffff  }
0x12: {  	v2 =	vld.idx.msk [tilespmem:v2+s9+$0x0], $0xffff;
	_ =	sdelay $0x4  }
0x13: {  	v5 =	vtrunc.f32 v3;
	v4 =	vtrunc.f32 v2  }
0x14: {  	v5 =	vcvt.f32.s32 v5;
	v4 =	vcvt.f32.s32 v4;
	_ =	sdelay $0x1  }
0x15: {  	v6 =	vcvt.s32.f32 v5;
	vm1 =	vgt.s32 v5, $0x0;
	vm0 =	vgt.s32 v4, $0x0  }
0x16: {  	v7 =	vcvt.s32.f32 v4;
	v5 =	vnsel vm1, $0x0, v5;
	v4 =	vnsel vm0, $0x0, v4  }
0x17: {  	v3 =	vsub.f32 v3, v6;
	v8 =	vmin.u32 v4, $0xDE;
	v4 =	vmin.u32 v4, $0xDF  }
0x18: {  	v2 =	vsub.f32 v2, v7;
	v7 =	vmin.u32 v5, $0xDF;
	v4 =	vmul.u32 $0xE0, v4  }
0x19: {  	s13 =	sand.u32 $0x70, s3;
	s14 =	sand.u32 $0x1C00, s3;
	v5 =	vmin.u32 v5, $0xDE;
	v6 =	vmul.u32 $0xE0, v8;
	v8 =	vsub.f32 $1.000000000e+00, v3  }
0x1a: {  	s13 =	sor.u32 s13, s14;
	v5 =	vadd.s32 $0x1, v5;
	v9 =	vsub.f32 $1.000000000e+00, v2;
	v11 =	vadd.s32 v7, v4  }
0x1b: {  	v10 =	vmul.f32 v2, v3;
	v6 =	vadd.s32 $0xE0, v6;
	v4 =	vadd.s32 v5, v4;
	[tilespmem:s13+$0x0] =	vst v11  }
0x1c: {  	v2 =	vmul.f32 v8, v2;
	v13 =	vadd.s32 v5, v6;
	[tilespmem:s13+$0x80] =	vst v4  }
0x1d: {  	v12 =	vmul.f32 v9, v8;
	v10 =	vmul.f32 $2.500000000e-01, v10;
	v6 =	vadd.s32 v7, v6;
	[tilespmem:s13+$0x180] =	vst v13  }
0x1e: {  	v3 =	vmul.f32 v9, v3;
	v4 =	vor.u32 $0x2, v1;
	v2 =	vmul.f32 $2.500000000e-01, v2;
	[tilespmem:s13+$0x100] =	vst v6  }
0x1f: {  	v5 =	vor.u32 $0x3, v1;
	v59 =	vmul.f32 $2.500000000e-01, v12;
	[tilespmem:s13+$0x3980] =	vst v10  }
0x20: {  	v3 =	vmul.f32 $2.500000000e-01, v3;
	[tilespmem:s13+$0x3900] =	vst v2  }
0x21: {  	[tilespmem:s13+$0x3800] =	vst v59  }
0x22: {  	[tilespmem:s13+$0x3880] =	vst v3  }
0x23: {  	v2 =	vld.idx.msk [tilespmem:v4+s9+$0x0], $0xffff  }
0x24: {  	v3 =	vld.idx.msk [tilespmem:v5+s9+$0x0], $0xffff;
	_ =	sdelay $0x4  }
0x25: {  	v4 =	vtrunc.f32 v2;
	v5 =	vtrunc.f32 v3  }
0x26: {  	v4 =	vcvt.f32.s32 v4;
	v5 =	vcvt.f32.s32 v5;
	_ =	sdelay $0x1  }
0x27: {  	v6 =	vcvt.s32.f32 v4;
	v7 =	vcvt.s32.f32 v5  }
0x28: {  	vm0 =	vgt.s32 v4, $0x0;
	vm1 =	vgt.s32 v5, $0x0  }
0x29: {  	v5 =	vnsel vm1, $0x0, v5;
	v2 =	vsub.f32 v2, v6;
	v3 =	vsub.f32 v3, v7  }
0x2a: {  	v4 =	vnsel vm0, $0x0, v4;
	v6 =	vmin.u32 v5, $0xDE;
	v5 =	vmin.u32 v5, $0xDF  }
0x2b: {  	v5 =	vmul.u32 $0xE0, v5;
	v7 =	vsub.f32 $1.000000000e+00, v2;
	v8 =	vsub.f32 $1.000000000e+00, v3  }
0x2c: {  	v60 =	vmin.u32 v4, $0xDE;
	v4 =	vmin.u32 v4, $0xDF;
	v6 =	vmul.u32 $0xE0, v6  }
0x2d: {  	v9 =	vadd.s32 $0x1, v60;
	v61 =	vadd.s32 v4, v5;
	v62 =	vmul.f32 v8, v7  }
0x2e: {  	v6 =	vadd.s32 $0xE0, v6;
	v5 =	vadd.s32 v9, v5;
	v8 =	vmul.f32 v8, v2;
	[tilespmem:s13+$0x200] =	vst v61  }
0x2f: {  	v4 =	vadd.s32 v4, v6;
	v7 =	vmul.f32 v7, v3;
	[tilespmem:s13+$0x280] =	vst v5;
	v63 =	vmul.f32 $2.500000000e-01, v62  }
0x30: {  	[tilespmem:s13+$0x300] =	vst v4;
	v5 =	vmul.f32 $2.500000000e-01, v8  }
0x31: {  	v2 =	vmul.f32 v3, v2;
	v3 =	vor.u32 $0x4, v1;
	v4 =	vmul.f32 $2.500000000e-01, v7;
	[tilespmem:s13+$0x3A00] =	vst v63  }
0x32: {  	s31 =	sor.u32 s3, s3;
	[tilespmem:s13+$0x3A80] =	vst v5  }
0x33: {  	s14 =	sor.u32 $0x380, s31;
	v2 =	vmul.f32 $2.500000000e-01, v2;
	v5 =	vadd.s32 v9, v6;
	v6 =	vor.u32 $0x5, v1;
	[tilespmem:s13+$0x3B00] =	vst v4  }
0x34: {  	[tilespmem:s14+$0x0] =	vst v5  }
0x35: {  	[tilespmem:s14+$0x3800] =	vst v2  }
0x36: {  	v3 =	vld.idx.msk [tilespmem:v3+s9+$0x0], $0xffff;
	_ =	sdelay $0x1  }
0x37: {  	v2 =	vld.idx.msk [tilespmem:v6+s9+$0x0], $0xffff;
	_ =	sdelay $0x2  }
0x38: {  	v4 =	vtrunc.f32 v3  }
0x39: {  	v4 =	vcvt.f32.s32 v4  }
0x3a: {  	v5 =	vtrunc.f32 v2  }
0x3b: {  	s15 =	simm.s32 $0x0;
	s14 =	simm.s32 $0x10;
	v6 =	vcvt.s32.f32 v4;
	vm0 =	vgt.s32 v4, $0x0;
	v5 =	vcvt.f32.s32 v5  }
.LBB2_2:
0x3c: {  	p0 =	sne.s32 s14, $0x300  }
0x3d: {  	v7 =	vcvt.s32.f32 v5;
	vm1 =	vgt.s32 v5, $0x0;
	s15 =	sadd.s32 $0x80, s15;
	s16 =	smov.u32 s14;
	s14 =	sadd.s32 $0x10, s14  }
0x3e: {  	v4 =	vnsel vm0, $0x0, v4;
	v3 =	vsub.f32 v3, v6;
	v5 =	vnsel vm1, $0x0, v5  }
0x3f: {  	v6 =	vmin.u32 v4, $0xDE;
	v2 =	vsub.f32 v2, v7;
	v7 =	vmin.u32 v5, $0xDF  }
0x40: {  	v6 =	vadd.s32 $0x1, v6;
	v5 =	vmin.u32 v5, $0xDE;
	v7 =	vmul.u32 $0xE0, v7  }
0x41: {  	v8 =	vsub.f32 $1.000000000e+00, v3;
	v5 =	vmul.u32 $0xE0, v5;
	v9 =	vsub.f32 $1.000000000e+00, v2  }
0x42: {  	v4 =	vmin.u32 v4, $0xDF;
	v11 =	vmul.f32 v2, v3;
	v10 =	vadd.s32 v6, v7  }
0x43: {  	v5 =	vadd.s32 $0xE0, v5;
	v12 =	vmul.f32 v9, v8;
	[tilespmem:s13+$0x1C80] =	vst v10;
	v3 =	vmul.f32 v9, v3  }
0x44: {  	v7 =	vadd.s32 v4, v7;
	v2 =	vmul.f32 v8, v2;
	v8 =	vmul.f32 $2.500000000e-01, v11  }
0x45: {  	v6 =	vadd.s32 v6, v5;
	[tilespmem:s13+$0x1C00] =	vst v7;
	v7 =	vmul.f32 $2.500000000e-01, v12;
	v3 =	vmul.f32 $2.500000000e-01, v3  }
0x46: {  	v4 =	vadd.s32 v4, v5;
	v2 =	vmul.f32 $2.500000000e-01, v2;
	[tilespmem:s13+$0x5580] =	vst v8  }
0x47: {  	v5 =	vor.u32 $0x6, v1;
	[tilespmem:s13+$0x5400] =	vst v7  }
0x48: {  	[tilespmem:s13+$0x5480] =	vst v3;
	v3 =	vor.u32 $0x7, v1  }
0x49: {  	[tilespmem:s13+$0x5500] =	vst v2  }
0x4a: {  	v1 =	vmov s16;
	[tilespmem:s13+$0x1D00] =	vst v4  }
0x4b: {  	v1 =	vshll.u32 v1, $0x3;
	[tilespmem:s13+$0x1D80] =	vst v6  }
0x4c: {  	v1 =	vor.u32 v0, v1;
	v2 =	vld.idx.msk [tilespmem:v5+s9+$0x0], $0xffff  }
0x4d: {  	v4 =	vor.u32 $0x1, v1;
	v3 =	vld.idx.msk [tilespmem:v3+s9+$0x0], $0xffff;
	_ =	sdelay $0x4  }
0x4e: {  	v5 =	vtrunc.f32 v2  }
0x4f: {  	v5 =	vcvt.f32.s32 v5;
	v6 =	vtrunc.f32 v3  }
0x50: {  	v6 =	vcvt.f32.s32 v6  }
0x51: {  	v7 =	vcvt.s32.f32 v5;
	vm0 =	vgt.s32 v5, $0x0  }
0x52: {  	v8 =	vcvt.s32.f32 v6;
	v5 =	vnsel vm0, $0x0, v5;
	vm0 =	vgt.s32 v6, $0x0  }
0x53: {  	v2 =	vsub.f32 v2, v7;
	v7 =	vmin.u32 v5, $0xDE;
	v6 =	vnsel vm0, $0x0, v6  }
0x54: {  	v3 =	vsub.f32 v3, v8;
	v8 =	vmin.u32 v6, $0xDF;
	v6 =	vmin.u32 v6, $0xDE  }
0x55: {  	v7 =	vadd.s32 $0x1, v7;
	v8 =	vmul.u32 $0xE0, v8;
	v6 =	vmul.u32 $0xE0, v6  }
0x56: {  	v5 =	vmin.u32 v5, $0xDF;
	v9 =	vsub.f32 $1.000000000e+00, v2;
	v10 =	vsub.f32 $1.000000000e+00, v3  }
0x57: {  	v12 =	vmul.f32 v3, v2;
	v11 =	vadd.s32 v5, v8;
	v8 =	vadd.s32 v7, v8  }
0x58: {  	v6 =	vadd.s32 $0xE0, v6;
	v2 =	vmul.f32 v10, v2;
	[tilespmem:s13+$0x1E00] =	vst v11;
	v11 =	vmul.f32 v10, v9  }
0x59: {  	v3 =	vmul.f32 v9, v3;
	v5 =	vadd.s32 v5, v6;
	[tilespmem:s13+$0x1E80] =	vst v8;
	v8 =	vmul.f32 $2.500000000e-01, v12  }
0x5a: {  	v2 =	vmul.f32 $2.500000000e-01, v2;
	v9 =	vmul.f32 $2.500000000e-01, v11;
	[tilespmem:s13+$0x1F00] =	vst v5;
	v5 =	vadd.s32 v7, v6  }
0x5b: {  	v3 =	vmul.f32 $2.500000000e-01, v3;
	[tilespmem:s13+$0x5780] =	vst v8  }
0x5c: {  	[tilespmem:s13+$0x5600] =	vst v9  }
0x5d: {  	[tilespmem:s13+$0x5680] =	vst v2  }
0x5e: {  	[tilespmem:s13+$0x5700] =	vst v3  }
0x5f: {  	[tilespmem:s13+$0x1F80] =	vst v5  }
0x60: {  	v2 =	vld.idx.msk [tilespmem:v4+s9+$0x0], $0xffff  }
0x61: {  	v3 =	vld.idx.msk [tilespmem:v1+s9+$0x0], $0xffff;
	_ =	sdelay $0x4  }
0x62: {  	v4 =	vtrunc.f32 v2  }
0x63: {  	v5 =	vtrunc.f32 v3;
	v4 =	vcvt.f32.s32 v4  }
0x64: {  	v5 =	vcvt.f32.s32 v5  }
0x65: {  	v6 =	vcvt.s32.f32 v4;
	vm0 =	vgt.s32 v4, $0x0  }
0x66: {  	v7 =	vcvt.s32.f32 v5;
	vm1 =	vgt.s32 v5, $0x0;
	v4 =	vnsel vm0, $0x0, v4  }
0x67: {  	v5 =	vnsel vm1, $0x0, v5;
	v8 =	vmin.u32 v4, $0xDE  }
0x68: {  	v2 =	vsub.f32 v2, v6;
	v3 =	vsub.f32 v3, v7;
	v6 =	vmul.u32 $0xE0, v8  }
0x69: {  	v4 =	vmin.u32 v4, $0xDF;
	v7 =	vmin.u32 v5, $0xDF;
	v5 =	vmin.u32 v5, $0xDE  }
0x6a: {  	v4 =	vmul.u32 $0xE0, v4;
	v9 =	vsub.f32 $1.000000000e+00, v2;
	v8 =	vsub.f32 $1.000000000e+00, v3  }
0x6b: {  	s17 =	sand.u32 $0x1C00, s15;
	s13 =	sand.u32 $0x70, s16;
	v5 =	vadd.s32 $0x1, v5;
	v6 =	vadd.s32 $0xE0, v6;
	v10 =	vmul.f32 v2, v3  }
0x6c: {  	s13 =	sor.u32 s13, s17;
	v11 =	vadd.s32 v7, v4;
	v13 =	vadd.s32 v5, v6;
	v12 =	vmul.f32 v9, v8  }
0x6d: {  	v6 =	vadd.s32 v7, v6;
	v2 =	vmul.f32 v8, v2;
	v7 =	vmul.f32 $2.500000000e-01, v10;
	[tilespmem:s13+$0x0] =	vst v11  }
0x6e: {  	v4 =	vadd.s32 v5, v4;
	v3 =	vmul.f32 v9, v3;
	v8 =	vmul.f32 $2.500000000e-01, v12;
	[tilespmem:s13+$0x180] =	vst v13  }
0x6f: {  	v2 =	vmul.f32 $2.500000000e-01, v2;
	[tilespmem:s13+$0x3980] =	vst v7  }
0x70: {  	v3 =	vmul.f32 $2.500000000e-01, v3;
	[tilespmem:s13+$0x80] =	vst v4;
	v4 =	vor.u32 $0x2, v1  }
0x71: {  	[tilespmem:s13+$0x3800] =	vst v8  }
0x72: {  	[tilespmem:s13+$0x3880] =	vst v3  }
0x73: {  	v3 =	vor.u32 $0x3, v1;
	[tilespmem:s13+$0x100] =	vst v6  }
0x74: {  	[tilespmem:s13+$0x3900] =	vst v2  }
0x75: {  	v2 =	vld.idx.msk [tilespmem:v4+s9+$0x0], $0xffff;
	_ =	sdelay $0x2  }
0x76: {  	v3 =	vld.idx.msk [tilespmem:v3+s9+$0x0], $0xffff;
	_ =	sdelay $0x2  }
0x77: {  	v4 =	vtrunc.f32 v2  }
0x78: {  	v4 =	vcvt.f32.s32 v4;
	_ =	sdelay $0x1  }
0x79: {  	v5 =	vtrunc.f32 v3;
	vm0 =	vgt.s32 v4, $0x0  }
0x7a: {  	v5 =	vcvt.f32.s32 v5;
	v6 =	vnsel vm0, $0x0, v4;
	_ =	sdelay $0x1  }
0x7b: {  	v4 =	vcvt.s32.f32 v4;
	v7 =	vcvt.s32.f32 v5;
	vm0 =	vgt.s32 v5, $0x0  }
0x7c: {  	v5 =	vnsel vm0, $0x0, v5  }
0x7d: {  	v2 =	vsub.f32 v2, v4;
	v3 =	vsub.f32 v3, v7;
	v4 =	vmin.u32 v5, $0xDE  }
0x7e: {  	v7 =	vmin.u32 v6, $0xDE;
	v5 =	vmin.u32 v5, $0xDF;
	v4 =	vmul.u32 $0xE0, v4  }
0x7f: {  	v8 =	vsub.f32 $1.000000000e+00, v2;
	v5 =	vmul.u32 $0xE0, v5;
	v9 =	vsub.f32 $1.000000000e+00, v3  }
0x80: {  	v6 =	vmin.u32 v6, $0xDF;
	v7 =	vadd.s32 $0x1, v7;
	v4 =	vadd.s32 $0xE0, v4  }
0x81: {  	v10 =	vadd.s32 v6, v5;
	v11 =	vmul.f32 v9, v8;
	v9 =	vmul.f32 v9, v2  }
0x82: {  	v5 =	vadd.s32 v7, v5;
	v6 =	vadd.s32 v6, v4;
	v8 =	vmul.f32 v8, v3;
	[tilespmem:s13+$0x200] =	vst v10  }
0x83: {  	v4 =	vadd.s32 v7, v4;
	v10 =	vmul.f32 $2.500000000e-01, v11;
	[tilespmem:s13+$0x280] =	vst v5;
	v5 =	vmul.f32 $2.500000000e-01, v9  }
0x84: {  	v2 =	vmul.f32 v3, v2;
	[tilespmem:s13+$0x300] =	vst v6;
	v6 =	vmul.f32 $2.500000000e-01, v8  }
0x85: {  	v3 =	vor.u32 $0x4, v1;
	[tilespmem:s13+$0x3A00] =	vst v10  }
0x86: {  	s16 =	sor.u32 s15, s16;
	[tilespmem:s13+$0x3A80] =	vst v5;
	v5 =	vor.u32 $0x5, v1  }
0x87: {  	s16 =	sor.u32 $0x380, s16;
	v2 =	vmul.f32 $2.500000000e-01, v2;
	[tilespmem:s13+$0x3B00] =	vst v6  }
0x88: {  	[tilespmem:s16+$0x0] =	vst v4  }
0x89: {  	[tilespmem:s16+$0x3800] =	vst v2  }
0x8a: {  	v3 =	vld.idx.msk [tilespmem:v3+s9+$0x0], $0xffff  }
0x8b: {  	v2 =	vld.idx.msk [tilespmem:v5+s9+$0x0], $0xffff;
	_ =	sdelay $0x3  }
.Ltmp0:
0x8c: {  	(pc) =	sbr.rel @p0 .LBB2_2-.Ltmp0, $4  }
0x8d: {  	v4 =	vtrunc.f32 v3  }
0x8e: {  	v4 =	vcvt.f32.s32 v4;
	v5 =	vtrunc.f32 v2  }
0x8f: {  	v5 =	vcvt.f32.s32 v5  }
0x90: {  	v6 =	vcvt.s32.f32 v4;
	vm0 =	vgt.s32 v4, $0x0  }
0x91: {  	v7 =	vcvt.s32.f32 v5;
	vm1 =	vgt.s32 v5, $0x0  }
0x92: {  	v3 =	vsub.f32 v3, v6;
	v5 =	vnsel vm1, $0x0, v5  }
0x93: {  	v4 =	vnsel vm0, $0x0, v4;
	v2 =	vsub.f32 v2, v7;
	v48 =	vmin.u32 v5, $0xDF  }
0x94: {  	v47 =	vmin.u32 v4, $0xDE;
	v7 =	vmul.u32 $0xE0, v48;
	v8 =	vsub.f32 $1.000000000e+00, v3  }
0x95: {  	v6 =	vadd.s32 $0x1, v47;
	v9 =	vsub.f32 $1.000000000e+00, v2;
	v10 =	vmul.f32 v2, v3  }
0x96: {  	v4 =	vmin.u32 v4, $0xDF;
	v11 =	vadd.s32 v6, v7;
	v2 =	vmul.f32 v8, v2  }
0x97: {  	v7 =	vadd.s32 v4, v7;
	v12 =	vmul.f32 v9, v8;
	[tilespmem:s13+$0x1C80] =	vst v11;
	v49 =	vmul.f32 $2.500000000e-01, v10  }
0x98: {  	v5 =	vmin.u32 v5, $0xDE;
	v3 =	vmul.f32 v9, v3;
	[tilespmem:s13+$0x1C00] =	vst v7;
	v2 =	vmul.f32 $2.500000000e-01, v2  }
0x99: {  	v5 =	vmul.u32 $0xE0, v5;
	v50 =	vmul.f32 $2.500000000e-01, v12;
	[tilespmem:s13+$0x5580] =	vst v49  }
0x9a: {  	v51 =	vor.u32 $0x6, v1;
	v3 =	vmul.f32 $2.500000000e-01, v3;
	[tilespmem:s13+$0x5500] =	vst v2  }
0x9b: {  	v1 =	vor.u32 $0x7, v1;
	v5 =	vadd.s32 $0xE0, v5;
	[tilespmem:s13+$0x5400] =	vst v50  }
0x9c: {  	v2 =	vadd.s32 v6, v5;
	[tilespmem:s13+$0x5480] =	vst v3  }
0x9d: {  	v3 =	vadd.s32 v4, v5;
	[tilespmem:s13+$0x1D80] =	vst v2  }
0x9e: {  	[tilespmem:s13+$0x1D00] =	vst v3  }
0x9f: {  	v2 =	vld.idx.msk [tilespmem:v51+s9+$0x0], $0xffff  }
0xa0: {  	v1 =	vld.idx.msk [tilespmem:v1+s9+$0x0], $0xffff;
	_ =	sdelay $0x3  }
0xa1: {  	v3 =	vtrunc.f32 v2  }
0xa2: {  	v52 =	vtrunc.f32 v1;
	v3 =	vcvt.f32.s32 v3  }
0xa3: {  	v4 =	vcvt.f32.s32 v52  }
0xa4: {  	v53 =	vcvt.s32.f32 v3  }
0xa5: {  	vm14 =	vgt.s32 v3, $0x0;
	v54 =	vcvt.s32.f32 v4;
	vm15 =	vgt.s32 v4, $0x0  }
0xa6: {  	v3 =	vnsel vm14, $0x0, v3;
	v4 =	vnsel vm15, $0x0, v4;
	v2 =	vsub.f32 v2, v53  }
0xa7: {  	v1 =	vsub.f32 v1, v54;
	v55 =	vmin.u32 v4, $0xDF;
	v4 =	vmin.u32 v4, $0xDE  }
0xa8: {  	v56 =	vmin.u32 v3, $0xDE;
	v3 =	vmin.u32 v3, $0xDF;
	v5 =	vmul.u32 $0xE0, v55  }
0xa9: {  	v4 =	vmul.u32 $0xE0, v4;
	v57 =	vsub.f32 $1.000000000e+00, v2;
	v58 =	vsub.f32 $1.000000000e+00, v1  }
0xaa: {  	v6 =	vadd.s32 $0x1, v56;
	v60 =	vmul.f32 v1, v2;
	v59 =	vadd.s32 v3, v5  }
0xab: {  	v5 =	vadd.s32 v6, v5;
	v4 =	vadd.s32 $0xE0, v4;
	[tilespmem:s13+$0x1E00] =	vst v59;
	v61 =	vmul.f32 v58, v57  }
0xac: {  	v2 =	vmul.f32 v58, v2;
	[tilespmem:s13+$0x1E80] =	vst v5;
	v3 =	vadd.s32 v3, v4;
	v62 =	vmul.f32 $2.500000000e-01, v60  }
0xad: {  	v1 =	vmul.f32 v57, v1;
	[tilespmem:s13+$0x1F00] =	vst v3;
	v63 =	vmul.f32 $2.500000000e-01, v61  }
0xae: {  	v2 =	vmul.f32 $2.500000000e-01, v2;
	[tilespmem:s13+$0x5780] =	vst v62  }
0xaf: {  	v1 =	vmul.f32 $2.500000000e-01, v1;
	[tilespmem:s13+$0x5600] =	vst v63  }
0xb0: {  	[tilespmem:s13+$0x5680] =	vst v2  }
0xb1: {  	v2 =	vadd.s32 v6, v4;
	[tilespmem:s13+$0x5700] =	vst v1  }
0xb2: {  	s14 =	simm.s32 $0x0;
	[tilespmem:s13+$0x1F80] =	vst v2;
	s13 =	simm.s32 $0x0  }
.LBB2_4:
0xb3: {  	s15 =	sadd.s32 s7, s14  }
0xb4: {  	s16 =	smul.u32 $0x1880, s15;
	_ =	sdelay $0x1  }
0xb5: {  	s16 =	sadd.s32 s5, s16  }
0xb6: {  	[tilespmem:s9], [sflag:$0x1] =	stream.linear.gather [hbm4b:s16+s13], $0xC400, $0x38;
	[tilespmem:$0x13780] =	vst v63  }
0xb7: {  	_ =	swait.ge [sflag:s10], $0xC400  }
0xb8: {  	s29 =	sand.u32 $0x70, s13;
	s17 =	sand.u32 $0x1C00, s13;
	[sflag:s10] =	ssyncset.done $0x0  }
0xb9: {  	s16 =	sor.u32 s29, s17;
	[sflag:s10] =	ssyncadd.s32 $0xFFFF3C00  }
0xba: {  	v1 =	vld [tilespmem:s16+$0x1F80]  }
0xbb: {  	v2 =	vld [tilespmem:s16+$0x1F00]  }
0xbc: {  	v3 =	vld [tilespmem:s16+$0x1E80]  }
0xbd: {  	v4 =	vld [tilespmem:s16+$0x1E00]  }
0xbe: {  	v5 =	vld [tilespmem:s16+$0x1D80]  }
0xbf: {  	v6 =	vld [tilespmem:s16+$0x1D00]  }
0xc0: {  	v7 =	vld [tilespmem:s16+$0x1C80]  }
0xc1: {  	s30 =	sor.u32 s13, s13;
	v8 =	vld [tilespmem:s16+$0x1C00]  }
0xc2: {  	s17 =	sor.u32 $0x380, s30;
	v9 =	vld [tilespmem:s16+$0x0]  }
0xc3: {  	v10 =	vld [tilespmem:s17+$0x0]  }
0xc4: {  	v11 =	vld [tilespmem:s16+$0x80]  }
0xc5: {  	v12 =	vld [tilespmem:s16+$0x300]  }
0xc6: {  	v13 =	vld [tilespmem:s16+$0x100]  }
0xc7: {  	v14 =	vld [tilespmem:s16+$0x280]  }
0xc8: {  	v15 =	vld [tilespmem:s16+$0x180]  }
0xc9: {  	v16 =	vld [tilespmem:s16+$0x200]  }
0xca: {  	v17 =	vld [tilespmem:s16+$0x3800]  }
0xcb: {  	v9 =	vld.idx.msk [tilespmem:v9+s9+$0x0], $0xffff  }
0xcc: {  	v18 =	vld [tilespmem:s16+$0x3880]  }
0xcd: {  	v11 =	vld.idx.msk [tilespmem:v11+s9+$0x0], $0xffff  }
0xce: {  	v19 =	vld [tilespmem:s16+$0x3900]  }
0xcf: {  	v13 =	vld.idx.msk [tilespmem:v13+s9+$0x0], $0xffff  }
0xd0: {  	v48 =	vld [tilespmem:s16+$0x3980];
	v9 =	vmul.f32 v9, v17  }
0xd1: {  	v15 =	vld.idx.msk [tilespmem:v15+s9+$0x0], $0xffff  }
0xd2: {  	v49 =	vld [tilespmem:s16+$0x3A00];
	v11 =	vmul.f32 v11, v18;
	v9 =	vadd.f32 $0.0e+00, v9  }
0xd3: {  	v16 =	vld.idx.msk [tilespmem:v16+s9+$0x0], $0xffff  }
0xd4: {  	v52 =	vld [tilespmem:s16+$0x3A80];
	v50 =	vmul.f32 v13, v19;
	v9 =	vadd.f32 v11, v9  }
0xd5: {  	v51 =	vld.idx.msk [tilespmem:v14+s9+$0x0], $0xffff  }
0xd6: {  	v54 =	vld [tilespmem:s16+$0x3B00];
	v53 =	vmul.f32 v15, v48;
	v9 =	vadd.f32 v50, v9  }
0xd7: {  	v12 =	vld.idx.msk [tilespmem:v12+s9+$0x0], $0xffff  }
0xd8: {  	v56 =	vld [tilespmem:s17+$0x3800];
	v55 =	vmul.f32 v16, v49;
	v9 =	vadd.f32 v53, v9  }
0xd9: {  	v10 =	vld.idx.msk [tilespmem:v10+s9+$0x0], $0xffff  }
0xda: {  	v58 =	vld [tilespmem:s16+$0x5400];
	v57 =	vmul.f32 v51, v52;
	v9 =	vadd.f32 v55, v9  }
0xdb: {  	v8 =	vld.idx.msk [tilespmem:v8+s9+$0x0], $0xffff  }
0xdc: {  	v60 =	vld [tilespmem:s16+$0x5480];
	v59 =	vmul.f32 v12, v54;
	v9 =	vadd.f32 v57, v9  }
0xdd: {  	v7 =	vld.idx.msk [tilespmem:v7+s9+$0x0], $0xffff  }
0xde: {  	v61 =	vld [tilespmem:s16+$0x5500];
	v10 =	vmul.f32 v10, v56;
	v9 =	vadd.f32 v59, v9  }
0xdf: {  	v6 =	vld.idx.msk [tilespmem:v6+s9+$0x0], $0xffff  }
0xe0: {  	v62 =	vld [tilespmem:s16+$0x5580];
	v8 =	vmul.f32 v8, v58;
	v9 =	vadd.f32 v10, v9  }
0xe1: {  	v5 =	vld.idx.msk [tilespmem:v5+s9+$0x0], $0xffff  }
0xe2: {  	v63 =	vld [tilespmem:s16+$0x5600];
	v7 =	vmul.f32 v7, v60;
	v8 =	vadd.f32 v8, v9  }
0xe3: {  	v4 =	vld.idx.msk [tilespmem:v4+s9+$0x0], $0xffff  }
0xe4: {  	v3 =	vld.idx.msk [tilespmem:v3+s9+$0x0], $0xffff;
	v6 =	vmul.f32 v6, v61;
	v7 =	vadd.f32 v7, v8  }
0xe5: {  	v8 =	vld [tilespmem:s16+$0x5680]  }
0xe6: {  	v2 =	vld.idx.msk [tilespmem:v2+s9+$0x0], $0xffff;
	v5 =	vmul.f32 v5, v62;
	v6 =	vadd.f32 v6, v7  }
0xe7: {  	v7 =	vld [tilespmem:s16+$0x5700]  }
0xe8: {  	v1 =	vld.idx.msk [tilespmem:v1+s9+$0x0], $0xffff;
	v4 =	vmul.f32 v4, v63;
	v5 =	vadd.f32 v5, v6  }
0xe9: {  	v6 =	vld [tilespmem:s16+$0x5780]  }
0xea: {  	v3 =	vmul.f32 v3, v8;
	v4 =	vadd.f32 v4, v5;
	_ =	sdelay $0x1  }
0xeb: {  	v2 =	vmul.f32 v2, v7;
	v3 =	vadd.f32 v3, v4;
	_ =	sdelay $0x1  }
0xec: {  	v1 =	vmul.f32 v1, v6;
	v2 =	vadd.f32 v2, v3;
	_ =	sdelay $0x1  }
0xed: {  	s18 =	simm.s32 $0x10;
	s19 =	simm.s32 $0x80;
	v1 =	vadd.f32 v1, v2  }
0xee: {  	s31 =	sand.u32 $0x70, s18;
	s20 =	sand.u32 $0x1C00, s19;
	s16 =	simm.s32 $0x7000  }
0xef: {  	s17 =	sor.u32 s31, s20;
	[tilespmem:s16+$0x0] =	vst v1  }
0xf0: {  	v1 =	vld [tilespmem:s17+$0x1F80]  }
0xf1: {  	v2 =	vld [tilespmem:s17+$0x1F00]  }
0xf2: {  	v3 =	vld [tilespmem:s17+$0x1E80]  }
0xf3: {  	v4 =	vld [tilespmem:s17+$0x1E00]  }
0xf4: {  	v5 =	vld [tilespmem:s17+$0x1D80]  }
0xf5: {  	v6 =	vld [tilespmem:s17+$0x1D00]  }
0xf6: {  	s20 =	simm.s32 $0x20;
	v7 =	vld [tilespmem:s17+$0x1C80]  }
.LBB2_5:
0xf7: {  	p0 =	sne.s32 s20, $0x300;
	s21 =	sor.u32 s19, s18;
	v8 =	vld [tilespmem:s17+$0x1C00];
	s18 =	smov.u32 s20  }
0xf8: {  	v9 =	vld [tilespmem:s17+$0x0];
	s21 =	sor.u32 $0x380, s21  }
0xf9: {  	v10 =	vld [tilespmem:s21+$0x0]  }
0xfa: {  	v11 =	vld [tilespmem:s17+$0x80]  }
0xfb: {  	v12 =	vld [tilespmem:s17+$0x300]  }
0xfc: {  	v13 =	vld [tilespmem:s17+$0x100]  }
0xfd: {  	v14 =	vld [tilespmem:s17+$0x280]  }
0xfe: {  	v15 =	vld [tilespmem:s17+$0x180]  }
0xff: {  	v16 =	vld [tilespmem:s17+$0x200]  }
0x100: {  	v9 =	vld.idx.msk [tilespmem:v9+s9+$0x0], $0xffff  }
0x101: {  	v17 =	vld [tilespmem:s17+$0x3800]  }
0x102: {  	v11 =	vld.idx.msk [tilespmem:v11+s9+$0x0], $0xffff  }
0x103: {  	v18 =	vld [tilespmem:s17+$0x3880]  }
0x104: {  	v13 =	vld.idx.msk [tilespmem:v13+s9+$0x0], $0xffff  }
0x105: {  	v19 =	vld [tilespmem:s17+$0x3900]  }
0x106: {  	v9 =	vmul.f32 v9, v17;
	v15 =	vld.idx.msk [tilespmem:v15+s9+$0x0], $0xffff  }
0x107: {  	v17 =	vld [tilespmem:s17+$0x3980]  }
0x108: {  	v9 =	vadd.f32 $0.0e+00, v9;
	v11 =	vmul.f32 v11, v18;
	v16 =	vld.idx.msk [tilespmem:v16+s9+$0x0], $0xffff  }
0x109: {  	v18 =	vld [tilespmem:s17+$0x3A00]  }
0x10a: {  	v9 =	vadd.f32 v11, v9;
	v11 =	vmul.f32 v13, v19;
	v13 =	vld.idx.msk [tilespmem:v14+s9+$0x0], $0xffff  }
0x10b: {  	v14 =	vld [tilespmem:s17+$0x3A80]  }
0x10c: {  	v9 =	vadd.f32 v11, v9;
	v11 =	vmul.f32 v15, v17;
	v12 =	vld.idx.msk [tilespmem:v12+s9+$0x0], $0xffff  }
0x10d: {  	v15 =	vld [tilespmem:s17+$0x3B00]  }
0x10e: {  	v9 =	vadd.f32 v11, v9;
	v11 =	vmul.f32 v16, v18;
	v10 =	vld.idx.msk [tilespmem:v10+s9+$0x0], $0xffff  }
0x10f: {  	v16 =	vld [tilespmem:s21+$0x3800]  }
0x110: {  	v9 =	vadd.f32 v11, v9;
	v11 =	vmul.f32 v13, v14;
	v8 =	vld.idx.msk [tilespmem:v8+s9+$0x0], $0xffff  }
0x111: {  	v13 =	vld [tilespmem:s17+$0x5400]  }
0x112: {  	v9 =	vadd.f32 v11, v9;
	v11 =	vmul.f32 v12, v15;
	v7 =	vld.idx.msk [tilespmem:v7+s9+$0x0], $0xffff  }
0x113: {  	v12 =	vld [tilespmem:s17+$0x5480]  }
0x114: {  	v9 =	vadd.f32 v11, v9;
	v10 =	vmul.f32 v10, v16;
	v6 =	vld.idx.msk [tilespmem:v6+s9+$0x0], $0xffff  }
0x115: {  	v11 =	vld [tilespmem:s17+$0x5500]  }
0x116: {  	v9 =	vadd.f32 v10, v9;
	v8 =	vmul.f32 v8, v13;
	v5 =	vld.idx.msk [tilespmem:v5+s9+$0x0], $0xffff  }
0x117: {  	v10 =	vld [tilespmem:s17+$0x5580]  }
0x118: {  	v8 =	vadd.f32 v8, v9;
	v7 =	vmul.f32 v7, v12;
	v4 =	vld.idx.msk [tilespmem:v4+s9+$0x0], $0xffff  }
0x119: {  	v9 =	vld [tilespmem:s17+$0x5600]  }
0x11a: {  	v7 =	vadd.f32 v7, v8;
	v6 =	vmul.f32 v6, v11;
	v3 =	vld.idx.msk [tilespmem:v3+s9+$0x0], $0xffff  }
0x11b: {  	v8 =	vld [tilespmem:s17+$0x5680]  }
0x11c: {  	v6 =	vadd.f32 v6, v7;
	v5 =	vmul.f32 v5, v10;
	v2 =	vld.idx.msk [tilespmem:v2+s9+$0x0], $0xffff  }
0x11d: {  	v7 =	vld [tilespmem:s17+$0x5700]  }
0x11e: {  	v5 =	vadd.f32 v5, v6;
	v4 =	vmul.f32 v4, v9;
	v1 =	vld.idx.msk [tilespmem:v1+s9+$0x0], $0xffff  }
0x11f: {  	v6 =	vld [tilespmem:s17+$0x5780]  }
0x120: {  	v4 =	vadd.f32 v4, v5;
	v3 =	vmul.f32 v3, v8;
	_ =	sdelay $0x1  }
0x121: {  	v3 =	vadd.f32 v3, v4;
	v2 =	vmul.f32 v2, v7;
	_ =	sdelay $0x1  }
0x122: {  	v2 =	vadd.f32 v2, v3;
	v1 =	vmul.f32 v1, v6;
	_ =	sdelay $0x1  }
0x123: {  	s19 =	sadd.s32 $0x80, s19;
	v1 =	vadd.f32 v1, v2  }
0x124: {  	s16 =	sadd.s32 $0x10, s16;
	s21 =	sand.u32 $0x1C00, s19;
	s17 =	sand.u32 $0x70, s20  }
0x125: {  	s17 =	sor.u32 s17, s21;
	[tilespmem:s16+$0x0] =	vst v1  }
0x126: {  	v1 =	vld [tilespmem:s17+$0x1F80]  }
0x127: {  	v2 =	vld [tilespmem:s17+$0x1F00]  }
.Ltmp1:
0x128: {  	v3 =	vld [tilespmem:s17+$0x1E80];
	(pc) =	sbr.rel @p0 .LBB2_5-.Ltmp1, $4  }
0x129: {  	v4 =	vld [tilespmem:s17+$0x1E00]  }
0x12a: {  	v5 =	vld [tilespmem:s17+$0x1D80]  }
0x12b: {  	v6 =	vld [tilespmem:s17+$0x1D00]  }
0x12c: {  	s20 =	sadd.s32 $0x10, s20;
	v7 =	vld [tilespmem:s17+$0x1C80]  }
0x12d: {  	v8 =	vld [tilespmem:s17+$0x1C00]  }
0x12e: {  	v9 =	vld [tilespmem:s17+$0x0]  }
0x12f: {  	v11 =	vld [tilespmem:s17+$0x80]  }
0x130: {  	v12 =	vld [tilespmem:s17+$0x300]  }
0x131: {  	v13 =	vld [tilespmem:s17+$0x100]  }
0x132: {  	v14 =	vld [tilespmem:s17+$0x280]  }
0x133: {  	v15 =	vld [tilespmem:s17+$0x180]  }
0x134: {  	v16 =	vld [tilespmem:s17+$0x200]  }
0x135: {  	v17 =	vld [tilespmem:s17+$0x3800]  }
0x136: {  	v18 =	vld [tilespmem:s17+$0x3880]  }
0x137: {  	v9 =	vld.idx.msk [tilespmem:v9+s9+$0x0], $0xffff  }
0x138: {  	v19 =	vld [tilespmem:s17+$0x3900]  }
0x139: {  	v11 =	vld.idx.msk [tilespmem:v11+s9+$0x0], $0xffff  }
0x13a: {  	s18 =	sor.u32 s19, s18;
	v45 =	vld [tilespmem:s17+$0x3980]  }
0x13b: {  	s18 =	sor.u32 $0x380, s18;
	v13 =	vld.idx.msk [tilespmem:v13+s9+$0x0], $0xffff  }
0x13c: {  	v10 =	vld [tilespmem:s18+$0x0];
	v9 =	vmul.f32 v9, v17  }
0x13d: {  	v15 =	vld.idx.msk [tilespmem:v15+s9+$0x0], $0xffff  }
0x13e: {  	v46 =	vld [tilespmem:s17+$0x3A00];
	v11 =	vmul.f32 v11, v18;
	v9 =	vadd.f32 $0.0e+00, v9  }
0x13f: {  	v16 =	vld.idx.msk [tilespmem:v16+s9+$0x0], $0xffff  }
0x140: {  	v49 =	vld [tilespmem:s17+$0x3A80];
	v47 =	vmul.f32 v13, v19;
	v9 =	vadd.f32 v11, v9  }
0x141: {  	v48 =	vld.idx.msk [tilespmem:v14+s9+$0x0], $0xffff  }
0x142: {  	v51 =	vld [tilespmem:s17+$0x3B00];
	v50 =	vmul.f32 v15, v45;
	v9 =	vadd.f32 v47, v9  }
0x143: {  	v12 =	vld.idx.msk [tilespmem:v12+s9+$0x0], $0xffff  }
0x144: {  	v53 =	vld [tilespmem:s18+$0x3800];
	v52 =	vmul.f32 v16, v46;
	v9 =	vadd.f32 v50, v9  }
0x145: {  	v10 =	vld.idx.msk [tilespmem:v10+s9+$0x0], $0xffff  }
0x146: {  	v55 =	vld [tilespmem:s17+$0x5400];
	v54 =	vmul.f32 v48, v49;
	v9 =	vadd.f32 v52, v9  }
0x147: {  	v8 =	vld.idx.msk [tilespmem:v8+s9+$0x0], $0xffff  }
0x148: {  	v57 =	vld [tilespmem:s17+$0x5480];
	v56 =	vmul.f32 v12, v51;
	v9 =	vadd.f32 v54, v9  }
0x149: {  	v7 =	vld.idx.msk [tilespmem:v7+s9+$0x0], $0xffff  }
0x14a: {  	v58 =	vld [tilespmem:s17+$0x5500];
	v10 =	vmul.f32 v10, v53;
	v9 =	vadd.f32 v56, v9  }
0x14b: {  	v6 =	vld.idx.msk [tilespmem:v6+s9+$0x0], $0xffff  }
0x14c: {  	v59 =	vld [tilespmem:s17+$0x5580];
	v8 =	vmul.f32 v8, v55;
	v9 =	vadd.f32 v10, v9  }
0x14d: {  	v5 =	vld.idx.msk [tilespmem:v5+s9+$0x0], $0xffff  }
0x14e: {  	v60 =	vld [tilespmem:s17+$0x5600];
	v7 =	vmul.f32 v7, v57;
	v8 =	vadd.f32 v8, v9  }
0x14f: {  	v4 =	vld.idx.msk [tilespmem:v4+s9+$0x0], $0xffff  }
0x150: {  	v3 =	vld.idx.msk [tilespmem:v3+s9+$0x0], $0xffff;
	v6 =	vmul.f32 v6, v58;
	v7 =	vadd.f32 v7, v8  }
0x151: {  	v61 =	vld [tilespmem:s17+$0x5680]  }
0x152: {  	v2 =	vld.idx.msk [tilespmem:v2+s9+$0x0], $0xffff;
	v5 =	vmul.f32 v5, v59;
	v6 =	vadd.f32 v6, v7  }
0x153: {  	v62 =	vld [tilespmem:s17+$0x5700]  }
0x154: {  	v1 =	vld.idx.msk [tilespmem:v1+s9+$0x0], $0xffff;
	v4 =	vmul.f32 v4, v60;
	v5 =	vadd.f32 v5, v6  }
0x155: {  	v63 =	vld [tilespmem:s17+$0x5780]  }
0x156: {  	v3 =	vmul.f32 v3, v61;
	v4 =	vadd.f32 v4, v5;
	_ =	sdelay $0x1  }
0x157: {  	v2 =	vmul.f32 v2, v62;
	v3 =	vadd.f32 v3, v4;
	_ =	sdelay $0x1  }
0x158: {  	s15 =	smul.u32 $0x3100, s15;
	v1 =	vmul.f32 v1, v63;
	v2 =	vadd.f32 v2, v3;
	_ =	sdelay $0x1  }
0x159: {  	s14 =	sadd.s32 $0x1, s14;
	s15 =	sadd.s32 s4, s15;
	v1 =	vadd.f32 v1, v2  }
0x15a: {  	s16 =	sadd.s32 $0x10, s16;
	p0 =	sne.s32 s14, $0x180;
	s15 =	sshrl.u32 s15, $0x3  }
.Ltmp2:
0x15b: {  	s15 =	sadd.s32 s2, s15;
	[tilespmem:s16+$0x0] =	vst v1;
	(pc) =	sbr.rel @p0 .LBB2_4-.Ltmp2, $4  }
0x15c: {  	[hbm4b:s15+s3] =	stream.linear.scatter [tilespmem:s11], [sflag:$0x1], $0x310, $0x38;
	[tilespmem:$0x13780] =	vst v63  }
0x15d: {  	_ =	swait.ge [sflag:s10], $0x310  }
0x15e: {  	[sflag:s10] =	ssyncset.done $0x0  }
0x15f: {  	[sflag:s10] =	ssyncadd.s32 $0xFFFFFCF0  }
0x160: {  	s12 =	sadd.s32 $0x1, s12  }
0x161: {  	p0 =	sne.s32 s12, s8  }
.Ltmp3:
0x162: {  	_ = 	snop;
	(pc) =	sbr.rel @p0 .LBB2_1-.Ltmp3, $1  }
0x163: {  	_ =	sdelay $0x3  }
0x164: {  	_ =	sfence.sel $0x180000  }
0x165: {  	[bflag:$0x0] =	sbarrier.arrive $0xFFFF  }
0x166: {  	p0 =	sne.s32 s1, $0x0;
	_ =	strace $0x90000047  }
0x167: {  	s0 =	sadd.s32 @!p0 $0x100000, s0;
	[bflag:$0x2] =	sbarrier.arrive $0xFFFF  }
0x168: {  	[sflag:s0] =	ssyncadd.tile.s32 @!p0 $0x1;
	_ =	shalt  }
.Lfunc_end2:
_tile_overlayer_lowered:
.L_overlay_start_2:
0x169: {  	(tag) =	ssettag $0x2  }
0x16a: {  	s0 =	rddreg [dreg:$0x0];
	s2 =	stileid.u32  }
0x16b: {  	s1 =	rddreg [dreg:$0x1];
	p0 =	sne.s32 s2, $0x0  }
0x16c: {  	s3 =	rddreg [dreg:$0x2];
	[bflag:$0x3] =	sbarrier.arrive $0xFFFF;
	s2 =	simm.s32 @!p0 $0x1C01  }
0x16d: {  	[timem:s3], [sflag:s2] =	dma.local @!p0 [hbm:s0], s1  }
0x16e: {  	s0 =	simm.s32 @!p0 $0x1  }
0x16f: {  	_ =	swait.ge @!p0 [sflag:s0], s1  }
0x170: {  	s1 =	ssub.s32 @!p0 $0x0, s1;
	[sflag:s0] =	ssyncset.done @!p0 $0x0  }
0x171: {  	[sflag:s0] =	ssyncadd.s32 @!p0 s1  }
0x172: {  	[bflag:$0x3] =	sbarrier.arrive $0xFFFF  }
0x173: {  	_ =	shalt  }

// kernel: sparse-core-data-format-call.cloned.1.call-start
scs
called_computation_lowered:
.L_overlay_start_0:
0x0: {  	s2 =	sld [smem:$0x3FD9]  }
0x1: {  	s3 =	sld [smem:$0x3FFE];
	_ =	sdelay $0x1  }
0x2: {  	s1 =	srdreg.scid  }
0x3: {  	s0 =	sand.u32 $0x1, s1  }
0x4: {  	s18 =	sshll.u32 s0, $0xA;
	s2 =	sadd.s32 s3, s2  }
0x5: {  	s2 =	sadd.s32 s2, s18  }
0x6: {  	[smem:$0x3FC6] =	sst s2  }
0x7: {  	_ = 	snop  }
0x8: {  	s2 =	sld [smem:$0x3FD0];
	(tm) =	ssettm $0x1  }
0x9: {  	s19 =	sld [smem:$0x3FFB];
	_ =	sdelay $0x3  }
0xa: {  	_ =	strace s19  }
0xb: {  	s3 =	sld [smem:$0x3FFC];
	_ =	sdelay $0x3  }
0xc: {  	_ =	strace s3  }
0xd: {  	s3 =	sld [smem:$0x3FFD];
	_ =	sdelay $0x3  }
0xe: {  	_ =	strace s3  }
0xf: {  	_ =	strace $0x8FFFFFFF  }
0x10: {  	s20 =	sld [smem:$0x3FDB];
	_ =	sdelay $0x1  }
0x11: {  	s4 =	simm.s32 $_scs_section_size  }
0x12: {  	s5 =	simm.s32 $_size__tile_overlayer_lowered;
	s6 =	simm.s32 $_tile_overlayer_lowered  }
0x13: {  	s23 =	simm.s32 $0x1BFF;
	s22 =	sshll.u32 s6, $0x1;
	s3 =	sadd.s32 s4, s20  }
0x14: {  	s7 =	simm.s32 $0x0;
	s21 =	sshll.u32 s5, $0x1;
	s5 =	sadd.s32 s22, s3  }
0x15: {  	[timem:s7], [sflag:s23] =	dma.local [hbm:s5], s21  }
0x16: {  	_ =	swait.ge [sflag:s23], s21  }
0x17: {  	s4 =	ssub.s32 $0x0, s21;
	[sflag:s23] =	ssyncset.done $0x0  }
0x18: {  	[sflag:s23] =	ssyncadd.s32 s4;
	_ =	sdelay $0x1  }
0x19: {  	s24 =	simm.s32 $0x1B8B  }
0x1a: {  	_ =	swait.ge [sflag:s24], $0x1  }
0x1b: {  	[sflag:s24] =	ssyncset.done $0x0  }
0x1c: {  	s26 =	simm.s32 $0x1B8E;
	s25 =	sld [smem:$0x3FFE];
	[sflag:s24] =	ssyncadd.s32 $0xFFFFFFFF  }
0x1d: {  	s27 =	simm.s32 $execute0_lowered;
	[smem:$0x3FD2] =	sst s26  }
0x1e: {  	s5 =	sshll.u32 s27, $0x1;
	_ =	strace $0x80000049;
	[dreg:$0x1] =	wrdreg $0xFFFFFFFF  }
0x1f: {  	s28 =	simm.s32 $_size_execute0_lowered;
	s3 =	sadd.s32 s3, s5;
	[dreg:$0x0] =	wrdreg $0x0  }
0x20: {  	s5 =	sshll.u32 s28, $0x1;
	[dreg:$0x2] =	wrdreg s3  }
0x21: {  	[dreg:$0x3] =	wrdreg s5  }
0x22: {  	[dreg:$0x4] =	wrdreg $0xC0  }
0x23: {  	_ =	task [dreg:s7], $0x5FFFF  }
0x24: {  	[dreg:$0x1] =	wrdreg $0xFFFFFFFF  }
0x25: {  	[dreg:$0x0] =	wrdreg $0x60  }
0x26: {  	[dreg:$0x2] =	wrdreg s25  }
0x27: {  	[dreg:$0x3] =	wrdreg s2  }
0x28: {  	[dreg:$0x4] =	wrdreg $0x9  }
0x29: {  	_ =	task.clear_ibuf [dreg:s7], $0x5FFFF;
	_ =	strace $0x90000049  }
0x2a: {  	s29 =	simm.s32 $0x9;
	_ =	strace $0x8000004B  }
0x2b: {  	_ =	swait.ge [sflag:s29], $0x1  }
0x2c: {  	[sflag:s29] =	ssyncadd.s32 $0xFFFFFFFF  }
0x2d: {  	_ =	strace $0x9000004B  }
0x2e: {  	_ =	sfence  }
0x2f: {  	s30 =	sld [smem:$0x0];
	_ =	sdelay $0x2  }
0x30: {  	s31 =	sshll.u32 s1, $0xD;
	s1 =	sshrl.u32 s1, $0x2  }
0x31: {  	s3 =	sand.u32 $0x4000, s31;
	s1 =	sadd.s32 s1, s30  }
0x32: {  	s0 =	sor.u32 s3, s0;
	s1 =	sshll.u32 s1, $0x11  }
0x33: {  	s0 =	sor.u32 s1, s0  }
0x34: {  	s0 =	sadd.s32 $0x8F2B, s0  }
0x35: {  	[sflag:s0] =	ssyncadd.remote.s32 $0x1  }
0x36: {  	_ =	sfence.sel $0xFFFF  }
0x37: {  	[dreg:$0x0] =	wrdreg $0xFFFFFFFF;
	(pc) =	sbr.abs _section_cstart, $3  }
0x38: {  	[dreg:$0x1] =	wrdreg $0xFFFFFFFF  }
0x39: {  	_ =	task.clear_ibuf [dreg:s7], $0x2FFFF;
	_ =	strace $0x9FFFFFFF  }
0x3a: {  	(tm) =	ssettm $0x7FFFFFFF  }
0x3b: {  	_ =	shalt  }
tec
execute0_lowered:
.L_overlay_start_1:
0x0: {  	(tag) =	ssettag $0x1  }
0x1: {  	s4 =	rddreg [dreg:$0x0]  }
0x2: {  	s2 =	rddreg [dreg:$0x1]  }
0x3: {  	s1 =	stileid.u32;
	s0 =	rddreg [dreg:$0x2];
	_ =	strace $0x8000004A  }
0x4: {  	s5 =	srdreg.scid;
	s8 =	simm.s32 $0x2;
	s17 =	simm.s32 $0x0  }
0x5: {  	p0 =	por $0x0, $0x0;
	s9 =	simm.s32 $0xC00;
	s18 =	simm.s32 $0x0  }
0x6: {  	s19 =	simm.s32 $0x0;
	s10 =	simm.s32 $0x0;
	s11 =	simm.s32 $0x0  }
0x7: {  	s12 =	simm.s32 $0x0;
	s14 =	simm.s32 $0x0;
	s3 =	sand.u32 $0x1, s1  }
0x8: {  	s16 =	simm.s32 $0x0;
	s5 =	sshll.u32 s5, $0x4;
	s6 =	ssub.s32 $0x2, s3  }
.Ltmp0:
0x9: {  	s7 =	sshrl.u32 s6, $0x1;
	s6 =	sand.u32 $0x1, s6;
	(pc) =	sbr.rel .LBB1_1-.Ltmp0, $4  }
0xa: {  	s4 =	sadd.s32 $0xA00, s4;
	s5 =	sand.u32 $0x10, s5;
	s6 =	sadd.s32 s6, s7  }
0xb: {  	s31 =	sor.u32 s1, s5;
	s5 =	simm.s32 $0x1;
	s6 =	smul.u32 $0x15, s6  }
0xc: {  	s15 =	smov.u32 s3;
	s7 =	sshrl.u32 s31, $0x1;
	[sflag:s5] =	ssyncpa.u1 $0x0  }
0xd: {  	[sflag:s8] =	ssyncpa.u1 $0x0;
	s13 =	smov.u32 s7;
	s8 =	sadd.s32 $0x1, s6  }
.LBB1_4:
0xe: {  	s25 =	sshll.u32 s11, $0x3;
	s26 =	sand.u32 $0x7F, s11;
	s24 =	sshra.s32 s24, $0x2  }
0xf: {  	s28 =	sshra.s32 s12, $0x1F;
	p1 =	sgt.s32 s12, $0x1;
	s29 =	smov.u32 s12  }
0x10: {  	p2 =	sgt.s32 s11, $0x100;
	s25 =	sand.u32 $0xFFFFFC00, s25;
	s23 =	sadd.s32 s24, s23  }
0x11: {  	s28 =	sand.u32 s28, s12;
	s26 =	sor.u32 s26, s25;
	s25 =	smulhi.u32 $0xAAAAAAAB, s25  }
0x12: {  	s29 =	simm.s32 @!p1 $0x1;
	s28 =	sxor.u32 $0xFFFFFFFF, s28;
	s27 =	smulhi.u32 $0xAAAAAAAB, s26  }
0x13: {  	s28 =	sadd.s32 s28, s29;
	s29 =	smov.u32 s11;
	s24 =	sshrl.u32 s25, $0x8  }
0x14: {  	p1 =	sgt.s32 s28, $0x0;
	s30 =	sshrl.u32 s27, $0x8;
	s31 =	smulhi.u32 $0x2492493, s24  }
0x15: {  	s29 =	simm.s32 @!p2 $0x100;
	s25 =	smul.u32 $0x180, s30;
	s30 =	sshra.s32 s11, $0x1F  }
0x16: {  	v5 =	vld [tilespmem:s21+$0xFFFFFFD0];
	[tilespmem:s22+$0x2040 ss:$0x81] =	vst.msk $0xffff, v4;
	s28 =	ssub.s32 $0x1, s28;
	p2 =	sgt.s32 s10, $0x6F;
	s30 =	sand.u32 s30, s11  }
0x17: {  	v58 =	vld [tilespmem:s21+$0xFFFFFFE0];
	[tilespmem:s22+$0x2850 ss:$0x81] =	vst.msk $0xffff, v3;
	s27 =	smul.u32 $0x70, s31;
	s31 =	smov.u32 s10;
	s29 =	ssub.s32 s29, s30  }
0x18: {  	v59 =	vld [tilespmem:s21+$0xFFFFFFF0];
	[tilespmem:s22+$0x3060 ss:$0x81] =	vst.msk $0xffff, v2;
	s28 =	smul.u32 $0x70, s28;
	s31 =	simm.s32 @!p2 $0x6F;
	s30 =	sadd.s32 $0xFFFFFF00, s29  }
0x19: {  	[tilespmem:s22+$0x0 ss:$0x81] =	vst.msk $0xffff, v1;
	v60 =	vld [tilespmem:s21+$0x0];
	s29 =	ssub.s32 $0x180, s29;
	p2 =	sgt.s32 s30, $0x7F;
	s30 =	sshra.s32 s10, $0x1F  }
0x1a: {  	v61 =	vld [tilespmem:s21+$0x10];
	[tilespmem:s23+$0x3870 ss:$0x81] =	vst.msk $0xffff, v0;
	s28 =	simm.s32 @p1 $0x0;
	s22 =	sand.u32 s30, s10;
	s29 =	simm.s32 @p2 $0x0  }
0x1b: {  	v62 =	vld [tilespmem:s21+$0x20];
	[tilespmem:s23+$0x810 ss:$0x81] =	vst.msk $0xffff, v5;
	s25 =	ssub.s32 s26, s25;
	s22 =	ssub.s32 s31, s22;
	s26 =	smul.u32 s29, s28  }
0x1c: {  	v63 =	vld [tilespmem:s21+$0xFFFFFFC0];
	[tilespmem:s23+$0x1020 ss:$0x81] =	vst.msk $0xffff, v58;
	s29 =	ssub.s32 s24, s27;
	s31 =	smul.u32 $0x93000, s12;
	s30 =	sadd.s32 $0xFFFFFF91, s22  }
0x1d: {  	[tilespmem:s23+$0x1830 ss:$0x81] =	vst.msk $0xffff, v59;
	s28 =	smul.u32 $0x1500, s10;
	s22 =	ssub.s32 $0x70, s22;
	p1 =	sgt.s32 s30, $0x0  }
0x1e: {  	[tilespmem:s23+$0x2040 ss:$0x81] =	vst.msk $0xffff, v60;
	s21 =	smul.u32 $0x30, s29;
	s27 =	sadd.s32 s2, s31;
	s22 =	simm.s32 @p1 $0x0  }
0x1f: {  	[tilespmem:s23+$0x2850 ss:$0x81] =	vst.msk $0xffff, v61;
	s29 =	sand.u32 $0x7, s25;
	s24 =	sadd.s32 s28, s27;
	s22 =	smul.u32 s22, s26  }
0x20: {  	[tilespmem:s23+$0x3060 ss:$0x81] =	vst.msk $0xffff, v62;
	s25 =	sshrl.u32 s25, $0x3;
	s30 =	sshll.u32 s29, $0x12;
	s21 =	sadd.s32 s21, s24  }
0x21: {  	[tilespmem:s23+$0x0 ss:$0x81] =	vst.msk $0xffff, v63;
	s31 =	sor.u32 $0x400, s30;
	s21 =	sadd.s32 s25, s21;
	s22 =	sand.u32 $0x3FFFFFF0, s22  }
0x22: {  	[hbm4b:s21+s31] =	stream.strided.scatter [tilespmem:s20], [sflag:$0x2], s22, s9, s31, $0x20;
	[tilespmem:$0x10100] =	vst v63  }
.LBB1_5:
0x23: {  	p1 =	slt.u32 s16, $0x2;
	s21 =	smov.u32 s19  }
0x24: {  	s22 =	smov.u32 s17;
	p2 =	sgt.s32 @!p1 s19, $0x1;
	s20 =	sshra.s32 @!p1 s19, $0x1F  }
0x25: {  	p3 =	sgt.s32 @!p1 s18, $0x100;
	p2 =	por !p2, p1;
	s19 =	sand.u32 @!p1 s20, s19  }
0x26: {  	p3 =	por !p3, p1;
	s20 =	smov.u32 s18;
	s21 =	simm.s32 @p2 $0x1  }
0x27: {  	s19 =	sxor.u32 @!p1 $0xFFFFFFFF, s19;
	s20 =	simm.s32 @p3 $0x100;
	p3 =	sgt.s32 @!p1 s17, $0x6F  }
0x28: {  	s19 =	sadd.s32 @!p1 s19, s21;
	s21 =	sshra.s32 @!p1 s18, $0x1F;
	p3 =	por !p3, p1  }
0x29: {  	p2 =	sgt.s32 @!p1 s19, $0x0;
	s18 =	sand.u32 @!p1 s21, s18;
	s21 =	sshra.s32 @!p1 s17, $0x1F  }
0x2a: {  	s22 =	simm.s32 @p3 $0x6F;
	s19 =	ssub.s32 @!p1 $0x1, s19;
	s18 =	ssub.s32 @!p1 s20, s18  }
0x2b: {  	s17 =	sand.u32 @!p1 s21, s17;
	s19 =	smul.u32 @!p1 $0x70, s19;
	s20 =	sadd.s32 @!p1 $0xFFFFFF00, s18  }
0x2c: {  	p2 =	por !p2, p1;
	s17 =	ssub.s32 @!p1 s22, s17;
	p3 =	sgt.s32 @!p1 s20, $0x7F  }
0x2d: {  	s18 =	ssub.s32 @!p1 $0x180, s18;
	s21 =	sadd.s32 @!p1 $0xFFFFFF91, s17;
	p3 =	por !p3, p1  }
0x2e: {  	s19 =	simm.s32 @!p2 $0x0;
	s18 =	simm.s32 @!p3 $0x0;
	p3 =	sgt.s32 @!p1 s21, $0x0  }
0x2f: {  	s17 =	ssub.s32 @!p1 $0x70, s17;
	p2 =	por !p3, p1;
	s18 =	smul.u32 @!p1 s18, s19  }
0x30: {  	s20 =	sadd.s32 $0x10, s13;
	s21 =	smov.u32 s14;
	s17 =	simm.s32 @!p2 $0x0  }
0x31: {  	p2 =	sgt.s32 s20, $0x6F;
	s17 =	smul.u32 @!p1 s17, s18;
	s18 =	sadd.s32 $0x80, s14  }
0x32: {  	s21 =	smov.u32 @p2 s18  }
0x33: {  	s23 =	smov.u32 s15;
	s18 =	sadd.s32 $0x2, s15;
	p3 =	sgt.s32 s21, $0x17F  }
0x34: {  	p0 =	por !p0, !p0;
	s22 =	simm.s32 @!p1 $0x2;
	s23 =	smov.u32 @p3 s18  }
0x35: {  	s19 =	smov.u32 s12;
	s20 =	smov.u32 @p2 s7;
	p2 =	sgt.s32 s23, $0x1  }
0x36: {  	s17 =	sand.u32 @!p1 $0x3FFFFFF0, s17;
	s23 =	smov.u32 @p2 s3;
	p2 =	sne.s32 s16, s8  }
.Ltmp1:
0x37: {  	s12 =	smov.u32 s15;
	_ =	swait.ge @!p1 [sflag:s22], s17;
	(pc) =	sbr.rel @!p2 .LBB1_6-.Ltmp1, $4  }
0x38: {  	s24 =	ssub.s32 @!p1 $0x0, s17;
	s21 =	simm.s32 @p3 $0x0;
	s17 =	smov.u32 s10  }
0x39: {  	s18 =	smov.u32 s11;
	s10 =	smov.u32 s13;
	s11 =	smov.u32 s14  }
0x3a: {  	s13 =	smov.u32 s20;
	[sflag:s22] =	ssyncset.done @!p1 $0x0;
	s14 =	smov.u32 s21  }
0x3b: {  	s16 =	sadd.s32 $0x1, s16;
	[sflag:s22] =	ssyncadd.s32 @!p1 s24;
	s15 =	smov.u32 s23  }
.LBB1_1:
0x3c: {  	p1 =	sge.u32 s16, s6  }
0x3d: {  	s20 =	sand.u32 @!p1 $0x1FFFFFF, s13;
	s22 =	smul.u32 @!p1 $0xA8000, s15  }
0x3e: {  	s21 =	smulhi.u32 @!p1 $0x2492493, s20  }
0x3f: {  	s24 =	smul.u32 @!p1 $0x700, s14  }
0x40: {  	s21 =	smul.u32 @!p1 $0x70, s21  }
0x41: {  	s31 =	sadd.s32 $0xFFFFFFFF, s16;
	s22 =	sadd.s32 @!p1 s4, s22  }
0x42: {  	s23 =	sxor.u32 @!p1 $0xFFFFFFFF, s16;
	s22 =	sadd.s32 @!p1 s24, s22;
	s20 =	ssub.s32 @!p1 s20, s21  }
0x43: {  	s21 =	sshll.u32 @!p1 s23, $0xE;
	s23 =	simm.s32 @!p1 $0x3800;
	s20 =	sshll.u32 @!p1 s20, $0x4  }
0x44: {  	s21 =	sand.u32 @!p1 $0x4000, s21;
	s20 =	sadd.s32 @!p1 s20, s22;
	s22 =	simm.s32 @!p1 $0x80  }
0x45: {  	[tilespmem:s21], [sflag:$0x1] =	stream.strided.gather @!p1 [hbm4b:s20+s22], $0x4000, s23, s22, $0x38;
	[tilespmem:$0x10100] =	vst v63  }
0x46: {  	p1 =	sge.u32 s31, s6  }
.Ltmp2:
0x47: {  	_ = 	snop;
	(pc) =	sbr.rel @p1 .LBB1_5-.Ltmp2, $1  }
0x48: {  	_ =	sdelay $0x3  }
0x49: {  	s20 =	simm.s32 $0x1  }
0x4a: {  	_ =	swait.ge [sflag:s5], $0x4000;
	s20 =	simm.s32 @!p0 $0x0  }
0x4b: {  	[sflag:s5] =	ssyncset.done $0x0;
	s21 =	sshll.u32 s20, $0xE  }
0x4c: {  	[sflag:s5] =	ssyncadd.s32 $0xFFFFC000;
	s21 =	sor.u32 $0x40, s21  }
0x4d: {  	s20 =	smul.u32 $0x10200, s20;
	v0 =	vld [tilespmem:s21+$0x30]  }
0x4e: {  	v1 =	vld [tilespmem:s21+$0xFFFFFFD0]  }
0x4f: {  	s20 =	sshrl.u32 s20, $0x2;
	v5 =	vld [tilespmem:s21+$0xFFFFFFE0]  }
0x50: {  	v6 =	vld [tilespmem:s21+$0xFFFFFFF0];
	s23 =	sor.u32 $0x8000, s20  }
0x51: {  	s31 =	sand.u32 $0x1, s16;
	v4 =	vld [tilespmem:s21+$0x0];
	s22 =	sadd.s32 $0x0, s23  }
0x52: {  	v3 =	vld [tilespmem:s21+$0x10];
	s20 =	smul.u32 $0x10200, s31;
	[tilespmem:s22+$0x3870 ss:$0x81] =	vst.msk $0xffff, v0  }
0x53: {  	v2 =	vld [tilespmem:s21+$0x20];
	[tilespmem:s22+$0x810 ss:$0x81] =	vst.msk $0xffff, v1  }
0x54: {  	s20 =	sshrl.u32 s20, $0x2;
	v1 =	vld [tilespmem:s21+$0xFFFFFFC0];
	[tilespmem:s22+$0x1020 ss:$0x81] =	vst.msk $0xffff, v5;
	s21 =	sadd.s32 $0x80, s21  }
0x55: {  	s24 =	simm.s32 $0x4;
	s25 =	simm.s32 $0x8;
	s20 =	sor.u32 $0x8000, s20;
	[tilespmem:s22+$0x1830 ss:$0x81] =	vst.msk $0xffff, v6;
	v0 =	vld [tilespmem:s21+$0x30]  }
.LBB1_3:
0x56: {  	p1 =	sne.s32 s25, $0x1FC;
	v5 =	vld [tilespmem:s21+$0xFFFFFFD0];
	[tilespmem:s22+$0x2040 ss:$0x81] =	vst.msk $0xffff, v4  }
0x57: {  	v6 =	vld [tilespmem:s21+$0xFFFFFFE0];
	[tilespmem:s22+$0x2850 ss:$0x81] =	vst.msk $0xffff, v3  }
0x58: {  	s26 =	sshra.s32 s24, $0x2;
	s24 =	smov.u32 s25;
	v7 =	vld [tilespmem:s21+$0xFFFFFFF0];
	[tilespmem:s22+$0x3060 ss:$0x81] =	vst.msk $0xffff, v2  }
.Ltmp3:
0x59: {  	v4 =	vld [tilespmem:s21+$0x0];
	[tilespmem:s22+$0x0 ss:$0x81] =	vst.msk $0xffff, v1;
	s22 =	sadd.s32 s26, s23;
	(pc) =	sbr.rel @p1 .LBB1_3-.Ltmp3, $4  }
0x5a: {  	v3 =	vld [tilespmem:s21+$0x10];
	[tilespmem:s22+$0x3870 ss:$0x81] =	vst.msk $0xffff, v0  }
0x5b: {  	[tilespmem:s22+$0x810 ss:$0x81] =	vst.msk $0xffff, v5;
	v2 =	vld [tilespmem:s21+$0x20]  }
0x5c: {  	v1 =	vld [tilespmem:s21+$0xFFFFFFC0];
	[tilespmem:s22+$0x1020 ss:$0x81] =	vst.msk $0xffff, v6;
	s21 =	sadd.s32 $0x80, s21  }
0x5d: {  	s25 =	sadd.s32 $0x4, s25;
	v0 =	vld [tilespmem:s21+$0x30];
	[tilespmem:s22+$0x1830 ss:$0x81] =	vst.msk $0xffff, v7  }
.Ltmp4:
0x5e: {  	_ = 	snop;
	(pc) =	sbr.rel .LBB1_4-.Ltmp4, $1  }
0x5f: {  	_ =	sdelay $0x3  }
.LBB1_6:
0x60: {  	_ =	sfence.sel $0x180000  }
0x61: {  	s2 =	simm.s32 $0x1;
	[bflag:$0x0] =	sbarrier.arrive $0xFFFF  }
0x62: {  	s31 =	simm.s32 $0x2;
	[sflag:s2] =	ssyncpa.u1 $0x1  }
0x63: {  	[sflag:s31] =	ssyncpa.u1 $0x1  }
0x64: {  	p0 =	sne.s32 s1, $0x0;
	_ =	strace $0x9000004A  }
0x65: {  	s0 =	sadd.s32 @!p0 $0x100000, s0;
	[bflag:$0x2] =	sbarrier.arrive $0xFFFF  }
0x66: {  	[sflag:s0] =	ssyncadd.tile.s32 @!p0 $0x1;
	_ =	shalt  }
.Lfunc_end1:
_tile_overlayer_lowered:
.L_overlay_start_2:
0x67: {  	(tag) =	ssettag $0x2  }
0x68: {  	s0 =	rddreg [dreg:$0x0];
	s2 =	stileid.u32  }
0x69: {  	s1 =	rddreg [dreg:$0x1];
	p0 =	sne.s32 s2, $0x0  }
0x6a: {  	s3 =	rddreg [dreg:$0x2];
	[bflag:$0x3] =	sbarrier.arrive $0xFFFF;
	s2 =	simm.s32 @!p0 $0x1C01  }
0x6b: {  	[timem:s3], [sflag:s2] =	dma.local @!p0 [hbm:s0], s1  }
0x6c: {  	s0 =	simm.s32 @!p0 $0x1  }
0x6d: {  	_ =	swait.ge @!p0 [sflag:s0], s1  }
0x6e: {  	s1 =	ssub.s32 @!p0 $0x0, s1;
	[sflag:s0] =	ssyncset.done @!p0 $0x0  }
0x6f: {  	[sflag:s0] =	ssyncadd.s32 @!p0 s1  }
0x70: {  	[bflag:$0x3] =	sbarrier.arrive $0xFFFF  }
0x71: {  	_ =	shalt  }

</sc_bundles>
